<compile_context>
chip_gen: v7x
topology: tpu7x:2x2x1
jax: 0.10.2.dev20260603
libtpu: 0.0.44.dev20260713+nightly
codegen_flags: <defaults>
</compile_context>

<pallas_src>
import functools

import jax
import jax.numpy as jnp
from jax import lax
from jax.experimental import pallas as pl
from jax.experimental.pallas import tpu as pltpu
from jax.experimental.pallas import tpu_sc as plsc

NC = 2
NS = 16
BATCH = 128


def _make_sc_call(R, D, C, per_tile, N):
    n_chunks_per_core = (R // C) // NC
    mesh = plsc.VectorSubcoreMesh(
        core_axis_name="c", subcore_axis_name="s",
        num_cores=NC, num_subcores=NS)
    acc_rows = -(-(C + 1) // (8 * NS)) * 8 * NS
    zrows = acc_rows // NS
    wrows = (C // NS) // 8 * 8
    wrem = C - wrows * NS

    @functools.partial(
        pl.kernel,
        out_type=jax.ShapeDtypeStruct((R, D), jnp.float32),
        mesh=mesh,
        scratch_types=[
            pltpu.VMEM_SHARED((acc_rows, 128), jnp.float32),
            pltpu.VMEM((BATCH,), jnp.int32),
            pltpu.VMEM((BATCH,), jnp.int32),
            pltpu.VMEM((BATCH,), jnp.int32),
            pltpu.VMEM((BATCH,), jnp.int32),
            pltpu.VMEM((BATCH,), jnp.int32),
            pltpu.VMEM((BATCH,), jnp.int32),
            pltpu.VMEM((BATCH,), jnp.int32),
            pltpu.VMEM((BATCH, 128), jnp.float32),
            pltpu.VMEM((BATCH, 128), jnp.float32),
            pltpu.SemaphoreType.DMA,
            pltpu.SemaphoreType.DMA,
            pltpu.SemaphoreType.DMA,
        ],
    )
    def sc_call(xf_h, bi_h, si_h, di_h, z_h, out_h,
                acc, biv, siv, div, g0v, g1v, s0v, s1v, st0, st1,
                semi, sem0, sem1):
        c = lax.axis_index("c")
        s = lax.axis_index("s")
        n_batches = per_tile // BATCH

        for p in range(n_chunks_per_core):
            lo = (n_chunks_per_core * c + p) * C
            pltpu.sync_copy(z_h.at[pl.ds(s * zrows, zrows)],
                            acc.at[pl.ds(s * zrows, zrows)])
            plsc.subcore_barrier()

            def body(i, carry):
                base = s * per_tile + i * BATCH
                d_b = pltpu.async_copy(bi_h.at[pl.ds(base, BATCH)], biv, semi)
                d_s = pltpu.async_copy(si_h.at[pl.ds(base, BATCH)], siv, semi)
                d_d = pltpu.async_copy(di_h.at[pl.ds(base, BATCH)], div, semi)
                d_b.wait()
                d_s.wait()
                d_d.wait()
                for j in range(BATCH // 16):
                    sl = pl.ds(j * 16, 16)
                    vb = biv[sl]
                    ls = vb * N + siv[sl]
                    ld = vb * N + div[sl]
                    g0v[sl] = jnp.maximum(ls, 0)
                    g1v[sl] = jnp.maximum(ld, 0)
                    l0 = ld - lo
                    s0v[sl] = jnp.where((l0 < 0) | (l0 >= C), C, l0)
                    l1 = ls - lo
                    s1v[sl] = jnp.where((l1 < 0) | (l1 >= C), C, l1)
                g0 = pltpu.async_copy(xf_h.at[g0v], st0, sem0)
                g1 = pltpu.async_copy(xf_h.at[g1v], st1, sem1)
                g0.wait()
                pltpu.sync_copy(st0, acc.at[s0v], add=True)
                g1.wait()
                pltpu.sync_copy(st1, acc.at[s1v], add=True)
                return carry

            lax.fori_loop(0, n_batches, body, 0)
            plsc.subcore_barrier()
            pltpu.sync_copy(acc.at[pl.ds(s * wrows, wrows)],
                            out_h.at[pl.ds(lo + s * wrows, wrows)])
            if wrem:
                @pl.when(s == 0)
                def _():
                    pltpu.sync_copy(acc.at[pl.ds(NS * wrows, wrem)],
                                    out_h.at[pl.ds(lo + NS * wrows, wrem)])
            plsc.subcore_barrier()

    return sc_call


def kernel(x, batch_idx, src, dst):
    B, N, D = x.shape
    R = B * N
    C = R // 4
    E = batch_idx.shape[0]
    per_tile = -(-E // (NS * BATCH)) * BATCH
    pad = per_tile * NS - E

    bi = jnp.concatenate([batch_idx.astype(jnp.int32),
                          jnp.full((pad,), -1, jnp.int32)])
    si = jnp.concatenate([src.astype(jnp.int32), jnp.zeros((pad,), jnp.int32)])
    di = jnp.concatenate([dst.astype(jnp.int32), jnp.zeros((pad,), jnp.int32)])
    xf = x.reshape(R, D)
    acc_rows = -(-(C + 1) // (8 * NS)) * 8 * NS
    z = jnp.zeros((acc_rows, D), jnp.float32)

    sc_call = _make_sc_call(R, D, C, per_tile, N)
    out_sum = sc_call(xf, bi, si, di, z)
    return jnp.concatenate([out_sum.reshape(B, N, D), x], axis=2)

# --- scband reference (transcript-rebuilt; emitter-appended) ---
"""Pipeline reference for scband-bond-attention-fixed-17798344475006 (READ-ONLY COPY).

The authoritative reference and input builder live on the scoring server;
editing this copy changes nothing except your own understanding.
"""

import jax, jax.numpy as jnp
import numpy as np

B, N, D = 4, 10000, 128
E = 500000

def setup_inputs(seed: int = 0) -> dict:
    key = jax.random.key(seed)
    k1, k2, k3, k4 = jax.random.split(key, 4)
    x = jax.random.normal(k1, (B, N, D), dtype=jnp.float32)
    batch_idx = jax.random.randint(k2, (E,), 0, B, dtype=jnp.int64) if jax.config.jax_enable_x64 else jax.random.randint(k2, (E,), 0, B, dtype=jnp.int32)
    src = jax.random.randint(k3, (E,), 0, N, dtype=batch_idx.dtype)
    dst = jax.random.randint(k4, (E,), 0, N, dtype=batch_idx.dtype)
    return {"x": x, "batch_idx": batch_idx, "src": src, "dst": dst}

def reference(x, batch_idx, src, dst):
    # BondAttentionFixed with one_way=False:
    #   out[batch, end] += x[batch, start]
    #   out[batch, start] += x[batch, end]
    #   return concat([out, x], axis=2)
    Bn, Nn, Dn = x.shape
    flat = x.reshape(Bn * Nn, Dn)
    lin_src = batch_idx * Nn + src
    lin_dst = batch_idx * Nn + dst
    out = jnp.zeros_like(flat)
    out = out.at[lin_dst].add(flat[lin_src])
    out = out.at[lin_src].add(flat[lin_dst])  # not one_way -> reverse direction too
    out = out.reshape(Bn, Nn, Dn)
    return jnp.concatenate([out, x], axis=2)

if __name__ == "__main__":
    import jax
    _d = setup_inputs()
    print(jax.jit(kernel)(*tuple(_d.values())))

</pallas_src>

<mosaic_0001>
#map = affine_map<(d0, d1) -> (0, 0)>
#map1 = affine_map<(d0, d1) -> (0)>
module attributes {stable_mosaic.version = 14 : i64} {
  func.func @sc_call(%arg0: i32, %arg1: i32, %arg2: memref<40000x128xf32, #tpu.memory_space<hbm>>, %arg3: memref<501760xi32, #tpu.memory_space<hbm>>, %arg4: memref<501760xi32, #tpu.memory_space<hbm>>, %arg5: memref<501760xi32, #tpu.memory_space<hbm>>, %arg6: memref<10112x128xf32, #tpu.memory_space<hbm>>, %arg7: memref<40000x128xf32, #tpu.memory_space<hbm>>, %arg8: memref<10112x128xf32, #tpu.memory_space<vmem_shared>>, %arg9: memref<128xi32, #tpu.memory_space<vmem>>, %arg10: memref<128xi32, #tpu.memory_space<vmem>>, %arg11: memref<128xi32, #tpu.memory_space<vmem>>, %arg12: memref<128xi32, #tpu.memory_space<vmem>>, %arg13: memref<128xi32, #tpu.memory_space<vmem>>, %arg14: memref<128xi32, #tpu.memory_space<vmem>>, %arg15: memref<128xi32, #tpu.memory_space<vmem>>, %arg16: memref<128x128xf32, #tpu.memory_space<vmem>>, %arg17: memref<128x128xf32, #tpu.memory_space<vmem>>, %arg18: memref<!tpu.dma_semaphore, #tpu.memory_space<semaphore_mem>>, %arg19: memref<!tpu.dma_semaphore, #tpu.memory_space<semaphore_mem>>, %arg20: memref<!tpu.dma_semaphore, #tpu.memory_space<semaphore_mem>>) attributes {dimension_semantics = [#tpu.dimension_semantics<core_parallel>, #tpu.dimension_semantics<subcore_parallel>], iteration_bounds = array<i64: 2, 16>, scalar_prefetch = 0 : i64, scratch_operands = 13 : i64, tpu.core_type = #tpu.core_type<sc_vector_subcore>, window_params = [{transform_indices = #map}, {transform_indices = #map1}, {transform_indices = #map1}, {transform_indices = #map1}, {transform_indices = #map}, {transform_indices = #map}]} {
    %mul3A = arith.constant 2 : i32
    %mul3A_0 = arith.muli %mul3A, %arg0 : i32
    %add3A = arith.constant 0 : i32
    %add3A_1 = arith.addi %mul3A_0, %add3A : i32
    %mul3A_2 = arith.constant 10000 : i32
    %mul3A_3 = arith.muli %add3A_1, %mul3A_2 : i32
    %mul3A_4 = arith.constant 632 : i32
    %mul3A_5 = arith.muli %arg1, %mul3A_4 : i32
    %mul3A_6 = arith.constant 632 : i32
    %mul3A_7 = arith.muli %arg1, %mul3A_6 : i32
    "tpu.region"() ({
      %run_scoped3A = tpu.sem_alloc : memref<!tpu.dma_semaphore, #tpu.memory_space<semaphore_mem>>
      %dma_start3A = arith.constant 0 : i32
      %dma_start3A_51 = tpu.memref_slice %arg8[%mul3A_7, %dma_start3A] : memref<10112x128xf32, #tpu.memory_space<vmem_shared>> -> memref<632x128xf32, #tpu.memory_space<vmem_shared>>
      %dma_start3A_52 = arith.constant 0 : i32
      %dma_start3A_53 = tpu.memref_slice %arg6[%mul3A_5, %dma_start3A_52] : memref<10112x128xf32, #tpu.memory_space<hbm>> -> memref<632x128xf32, #tpu.memory_space<hbm>>
      tpu.enqueue_dma source(%dma_start3A_53 : memref<632x128xf32, #tpu.memory_space<hbm>>) target(%dma_start3A_51 : memref<632x128xf32, #tpu.memory_space<vmem_shared>>) target_semaphore(%run_scoped3A : memref<!tpu.dma_semaphore, #tpu.memory_space<semaphore_mem>>)
      %dma_wait3A = arith.constant 0 : i32
      %dma_wait3A_54 = tpu.memref_slice %arg8[%mul3A_7, %dma_wait3A] : memref<10112x128xf32, #tpu.memory_space<vmem_shared>> -> memref<632x128xf32, #tpu.memory_space<vmem_shared>>
      %dma_wait3A_55 = arith.constant 0 : i32
      %dma_wait3A_56 = tpu.memref_slice %arg6[%mul3A_5, %dma_wait3A_55] : memref<10112x128xf32, #tpu.memory_space<hbm>> -> memref<632x128xf32, #tpu.memory_space<hbm>>
      tpu.wait_dma2 semaphore(%run_scoped3A : memref<!tpu.dma_semaphore, #tpu.memory_space<semaphore_mem>>) src(%dma_wait3A_56 : memref<632x128xf32, #tpu.memory_space<hbm>>) dst(%dma_wait3A_54 : memref<632x128xf32, #tpu.memory_space<vmem_shared>>)
      tpu.yield
    }) : () -> ()
    %barrier3A = arith.constant 0 : index
    tpu.barrier barrier_id(%barrier3A)
    %scan3A = arith.constant 0 : i32
    %scan3A_8 = arith.constant 0 : i32
    %scan3A_9 = arith.constant 245 : i32
    %scan3A_10 = arith.addi %scan3A_8, %scan3A_9 : i32
    %scan3A_11 = arith.constant 1 : i32
    scf.for %scan3A_51 = %scan3A_8 to %scan3A_10 step %scan3A_11  : i32 {
      %mul3A_52 = arith.constant 31360 : i32
      %mul3A_53 = arith.muli %arg1, %mul3A_52 : i32
      %mul3A_54 = arith.constant 128 : i32
      %mul3A_55 = arith.muli %scan3A_51, %mul3A_54 : i32
      %add3A_56 = arith.addi %mul3A_53, %mul3A_55 : i32
      %dma_start3A = tpu.memref_slice %arg3[%add3A_56] : memref<501760xi32, #tpu.memory_space<hbm>> -> memref<128xi32, #tpu.memory_space<hbm>>
      %dma_start3A_57 = tpu.memref_slice %arg3[%add3A_56] : memref<501760xi32, #tpu.memory_space<hbm>> -> memref<128xi32, #tpu.memory_space<hbm>>
      tpu.enqueue_dma source(%dma_start3A_57 : memref<128xi32, #tpu.memory_space<hbm>>) target(%arg9 : memref<128xi32, #tpu.memory_space<vmem>>) target_semaphore(%arg18 : memref<!tpu.dma_semaphore, #tpu.memory_space<semaphore_mem>>)
      %dma_start3A_58 = tpu.memref_slice %arg4[%add3A_56] : memref<501760xi32, #tpu.memory_space<hbm>> -> memref<128xi32, #tpu.memory_space<hbm>>
      %dma_start3A_59 = tpu.memref_slice %arg4[%add3A_56] : memref<501760xi32, #tpu.memory_space<hbm>> -> memref<128xi32, #tpu.memory_space<hbm>>
      tpu.enqueue_dma source(%dma_start3A_59 : memref<128xi32, #tpu.memory_space<hbm>>) target(%arg10 : memref<128xi32, #tpu.memory_space<vmem>>) target_semaphore(%arg18 : memref<!tpu.dma_semaphore, #tpu.memory_space<semaphore_mem>>)
      %dma_start3A_60 = tpu.memref_slice %arg5[%add3A_56] : memref<501760xi32, #tpu.memory_space<hbm>> -> memref<128xi32, #tpu.memory_space<hbm>>
      %dma_start3A_61 = tpu.memref_slice %arg5[%add3A_56] : memref<501760xi32, #tpu.memory_space<hbm>> -> memref<128xi32, #tpu.memory_space<hbm>>
      tpu.enqueue_dma source(%dma_start3A_61 : memref<128xi32, #tpu.memory_space<hbm>>) target(%arg11 : memref<128xi32, #tpu.memory_space<vmem>>) target_semaphore(%arg18 : memref<!tpu.dma_semaphore, #tpu.memory_space<semaphore_mem>>)
      %dma_wait3A = tpu.memref_slice %arg3[%add3A_56] : memref<501760xi32, #tpu.memory_space<hbm>> -> memref<128xi32, #tpu.memory_space<hbm>>
      %dma_wait3A_62 = tpu.memref_slice %arg3[%add3A_56] : memref<501760xi32, #tpu.memory_space<hbm>> -> memref<128xi32, #tpu.memory_space<hbm>>
      tpu.wait_dma2 semaphore(%arg18 : memref<!tpu.dma_semaphore, #tpu.memory_space<semaphore_mem>>) src(%dma_wait3A_62 : memref<128xi32, #tpu.memory_space<hbm>>) dst(%arg9 : memref<128xi32, #tpu.memory_space<vmem>>)
      %dma_wait3A_63 = tpu.memref_slice %arg4[%add3A_56] : memref<501760xi32, #tpu.memory_space<hbm>> -> memref<128xi32, #tpu.memory_space<hbm>>
      %dma_wait3A_64 = tpu.memref_slice %arg4[%add3A_56] : memref<501760xi32, #tpu.memory_space<hbm>> -> memref<128xi32, #tpu.memory_space<hbm>>
      tpu.wait_dma2 semaphore(%arg18 : memref<!tpu.dma_semaphore, #tpu.memory_space<semaphore_mem>>) src(%dma_wait3A_64 : memref<128xi32, #tpu.memory_space<hbm>>) dst(%arg10 : memref<128xi32, #tpu.memory_space<vmem>>)
      %dma_wait3A_65 = tpu.memref_slice %arg5[%add3A_56] : memref<501760xi32, #tpu.memory_space<hbm>> -> memref<128xi32, #tpu.memory_space<hbm>>
      %dma_wait3A_66 = tpu.memref_slice %arg5[%add3A_56] : memref<501760xi32, #tpu.memory_space<hbm>> -> memref<128xi32, #tpu.memory_space<hbm>>
      tpu.wait_dma2 semaphore(%arg18 : memref<!tpu.dma_semaphore, #tpu.memory_space<semaphore_mem>>) src(%dma_wait3A_66 : memref<128xi32, #tpu.memory_space<hbm>>) dst(%arg11 : memref<128xi32, #tpu.memory_space<vmem>>)
      %get3A = arith.constant 0 : index
      %get3A_67 = tpu.vector_load %arg9[%get3A] {strides = array<i32>} : memref<128xi32, #tpu.memory_space<vmem>>, vector<16xi32>,
      %get3A_68 = vector.shape_cast %get3A_67 : vector<16xi32> to vector<16xi32>
      %mul3A_69 = arith.constant 10000 : i32
      %mul3A_70 = vector.broadcast %mul3A_69 : i32 to vector<16xi32>
      %mul3A_71 = arith.muli %get3A_68, %mul3A_70 : vector<16xi32>
      %get3A_72 = arith.constant 0 : index
      %get3A_73 = tpu.vector_load %arg10[%get3A_72] {strides = array<i32>} : memref<128xi32, #tpu.memory_space<vmem>>, vector<16xi32>,
      %get3A_74 = vector.shape_cast %get3A_73 : vector<16xi32> to vector<16xi32>
      %add3A_75 = arith.addi %mul3A_71, %get3A_74 : vector<16xi32>
      %mul3A_76 = arith.constant 10000 : i32
      %mul3A_77 = vector.broadcast %mul3A_76 : i32 to vector<16xi32>
      %mul3A_78 = arith.muli %get3A_68, %mul3A_77 : vector<16xi32>
      %get3A_79 = arith.constant 0 : index
      %get3A_80 = tpu.vector_load %arg11[%get3A_79] {strides = array<i32>} : memref<128xi32, #tpu.memory_space<vmem>>, vector<16xi32>,
      %get3A_81 = vector.shape_cast %get3A_80 : vector<16xi32> to vector<16xi32>
      %add3A_82 = arith.addi %mul3A_78, %get3A_81 : vector<16xi32>
      %max3A = arith.constant 0 : i32
      %max3A_83 = vector.broadcast %max3A : i32 to vector<16xi32>
      %max3A_84 = arith.maxsi %add3A_75, %max3A_83 : vector<16xi32>
      %swap3A = arith.constant 0 : index
      %swap3A_85 = tpu.vector_load %arg12[%swap3A] {strides = array<i32>} : memref<128xi32, #tpu.memory_space<vmem>>, vector<16xi32>,
      %swap3A_86 = vector.shape_cast %swap3A_85 : vector<16xi32> to vector<16xi32>
      %swap3A_87 = vector.shape_cast %max3A_84 : vector<16xi32> to vector<16xi32>
      tpu.vector_store %arg12[%swap3A], %swap3A_87 {strides = array<i32>} : memref<128xi32, #tpu.memory_space<vmem>>, vector<16xi32>,
      %max3A_88 = arith.constant 0 : i32
      %max3A_89 = vector.broadcast %max3A_88 : i32 to vector<16xi32>
      %max3A_90 = arith.maxsi %add3A_82, %max3A_89 : vector<16xi32>
      %swap3A_91 = arith.constant 0 : index
      %swap3A_92 = tpu.vector_load %arg13[%swap3A_91] {strides = array<i32>} : memref<128xi32, #tpu.memory_space<vmem>>, vector<16xi32>,
      %swap3A_93 = vector.shape_cast %swap3A_92 : vector<16xi32> to vector<16xi32>
      %swap3A_94 = vector.shape_cast %max3A_90 : vector<16xi32> to vector<16xi32>
      tpu.vector_store %arg13[%swap3A_91], %swap3A_94 {strides = array<i32>} : memref<128xi32, #tpu.memory_space<vmem>>, vector<16xi32>,
      %sub3A = vector.broadcast %mul3A_3 : i32 to vector<16xi32>
      %sub3A_95 = arith.subi %add3A_82, %sub3A : vector<16xi32>
      %lt3A = arith.constant 0 : i32
      %lt3A_96 = vector.broadcast %lt3A : i32 to vector<16xi32>
      %lt3A_97 = arith.cmpi slt, %sub3A_95, %lt3A_96 : vector<16xi32>
      %ge3A = arith.constant 10000 : i32
      %ge3A_98 = vector.broadcast %ge3A : i32 to vector<16xi32>
      %ge3A_99 = arith.cmpi sge, %sub3A_95, %ge3A_98 : vector<16xi32>
      %or3A = arith.ori %lt3A_97, %ge3A_99 : vector<16xi1>
      %jit3A = arith.constant 10000 : i32
      %broadcast_in_dim3A = vector.broadcast %jit3A : i32 to vector<16xi32>
      %select_n3A = arith.select %or3A, %broadcast_in_dim3A, %sub3A_95 : vector<16xi1>, vector<16xi32>
      %swap3A_100 = arith.constant 0 : index
      %swap3A_101 = tpu.vector_load %arg14[%swap3A_100] {strides = array<i32>} : memref<128xi32, #tpu.memory_space<vmem>>, vector<16xi32>,
      %swap3A_102 = vector.shape_cast %swap3A_101 : vector<16xi32> to vector<16xi32>
      %swap3A_103 = vector.shape_cast %select_n3A : vector<16xi32> to vector<16xi32>
      tpu.vector_store %arg14[%swap3A_100], %swap3A_103 {strides = array<i32>} : memref<128xi32, #tpu.memory_space<vmem>>, vector<16xi32>,
      %sub3A_104 = vector.broadcast %mul3A_3 : i32 to vector<16xi32>
      %sub3A_105 = arith.subi %add3A_75, %sub3A_104 : vector<16xi32>
      %lt3A_106 = arith.constant 0 : i32
      %lt3A_107 = vector.broadcast %lt3A_106 : i32 to vector<16xi32>
      %lt3A_108 = arith.cmpi slt, %sub3A_105, %lt3A_107 : vector<16xi32>
      %ge3A_109 = arith.constant 10000 : i32
      %ge3A_110 = vector.broadcast %ge3A_109 : i32 to vector<16xi32>
      %ge3A_111 = arith.cmpi sge, %sub3A_105, %ge3A_110 : vector<16xi32>
      %or3A_112 = arith.ori %lt3A_108, %ge3A_111 : vector<16xi1>
      %jit3A_113 = arith.constant 10000 : i32
      %broadcast_in_dim3A_114 = vector.broadcast %jit3A_113 : i32 to vector<16xi32>
      %select_n3A_115 = arith.select %or3A_112, %broadcast_in_dim3A_114, %sub3A_105 : vector<16xi1>, vector<16xi32>
      %swap3A_116 = arith.constant 0 : index
      %swap3A_117 = tpu.vector_load %arg15[%swap3A_116] {strides = array<i32>} : memref<128xi32, #tpu.memory_space<vmem>>, vector<16xi32>,
      %swap3A_118 = vector.shape_cast %swap3A_117 : vector<16xi32> to vector<16xi32>
      %swap3A_119 = vector.shape_cast %select_n3A_115 : vector<16xi32> to vector<16xi32>
      tpu.vector_store %arg15[%swap3A_116], %swap3A_119 {strides = array<i32>} : memref<128xi32, #tpu.memory_space<vmem>>, vector<16xi32>,
      %get3A_120 = arith.constant 16 : index
      %get3A_121 = tpu.vector_load %arg9[%get3A_120] {strides = array<i32>} : memref<128xi32, #tpu.memory_space<vmem>>, vector<16xi32>,
      %get3A_122 = vector.shape_cast %get3A_121 : vector<16xi32> to vector<16xi32>
      %mul3A_123 = arith.constant 10000 : i32
      %mul3A_124 = vector.broadcast %mul3A_123 : i32 to vector<16xi32>
      %mul3A_125 = arith.muli %get3A_122, %mul3A_124 : vector<16xi32>
      %get3A_126 = arith.constant 16 : index
      %get3A_127 = tpu.vector_load %arg10[%get3A_126] {strides = array<i32>} : memref<128xi32, #tpu.memory_space<vmem>>, vector<16xi32>,
      %get3A_128 = vector.shape_cast %get3A_127 : vector<16xi32> to vector<16xi32>
      %add3A_129 = arith.addi %mul3A_125, %get3A_128 : vector<16xi32>
      %mul3A_130 = arith.constant 10000 : i32
      %mul3A_131 = vector.broadcast %mul3A_130 : i32 to vector<16xi32>
      %mul3A_132 = arith.muli %get3A_122, %mul3A_131 : vector<16xi32>
      %get3A_133 = arith.constant 16 : index
      %get3A_134 = tpu.vector_load %arg11[%get3A_133] {strides = array<i32>} : memref<128xi32, #tpu.memory_space<vmem>>, vector<16xi32>,
      %get3A_135 = vector.shape_cast %get3A_134 : vector<16xi32> to vector<16xi32>
      %add3A_136 = arith.addi %mul3A_132, %get3A_135 : vector<16xi32>
      %max3A_137 = arith.constant 0 : i32
      %max3A_138 = vector.broadcast %max3A_137 : i32 to vector<16xi32>
      %max3A_139 = arith.maxsi %add3A_129, %max3A_138 : vector<16xi32>
      %swap3A_140 = arith.constant 16 : index
      %swap3A_141 = tpu.vector_load %arg12[%swap3A_140] {strides = array<i32>} : memref<128xi32, #tpu.memory_space<vmem>>, vector<16xi32>,
      %swap3A_142 = vector.shape_cast %swap3A_141 : vector<16xi32> to vector<16xi32>
      %swap3A_143 = vector.shape_cast %max3A_139 : vector<16xi32> to vector<16xi32>
      tpu.vector_store %arg12[%swap3A_140], %swap3A_143 {strides = array<i32>} : memref<128xi32, #tpu.memory_space<vmem>>, vector<16xi32>,
      %max3A_144 = arith.constant 0 : i32
      %max3A_145 = vector.broadcast %max3A_144 : i32 to vector<16xi32>
      %max3A_146 = arith.maxsi %add3A_136, %max3A_145 : vector<16xi32>
      %swap3A_147 = arith.constant 16 : index
      %swap3A_148 = tpu.vector_load %arg13[%swap3A_147] {strides = array<i32>} : memref<128xi32, #tpu.memory_space<vmem>>, vector<16xi32>,
      %swap3A_149 = vector.shape_cast %swap3A_148 : vector<16xi32> to vector<16xi32>
      %swap3A_150 = vector.shape_cast %max3A_146 : vector<16xi32> to vector<16xi32>
      tpu.vector_store %arg13[%swap3A_147], %swap3A_150 {strides = array<i32>} : memref<128xi32, #tpu.memory_space<vmem>>, vector<16xi32>,
      %sub3A_151 = vector.broadcast %mul3A_3 : i32 to vector<16xi32>
      %sub3A_152 = arith.subi %add3A_136, %sub3A_151 : vector<16xi32>
      %lt3A_153 = arith.constant 0 : i32
      %lt3A_154 = vector.broadcast %lt3A_153 : i32 to vector<16xi32>
      %lt3A_155 = arith.cmpi slt, %sub3A_152, %lt3A_154 : vector<16xi32>
      %ge3A_156 = arith.constant 10000 : i32
      %ge3A_157 = vector.broadcast %ge3A_156 : i32 to vector<16xi32>
      %ge3A_158 = arith.cmpi sge, %sub3A_152, %ge3A_157 : vector<16xi32>
      %or3A_159 = arith.ori %lt3A_155, %ge3A_158 : vector<16xi1>
      %jit3A_160 = arith.constant 10000 : i32
      %broadcast_in_dim3A_161 = vector.broadcast %jit3A_160 : i32 to vector<16xi32>
      %select_n3A_162 = arith.select %or3A_159, %broadcast_in_dim3A_161, %sub3A_152 : vector<16xi1>, vector<16xi32>
      %swap3A_163 = arith.constant 16 : index
      %swap3A_164 = tpu.vector_load %arg14[%swap3A_163] {strides = array<i32>} : memref<128xi32, #tpu.memory_space<vmem>>, vector<16xi32>,
      %swap3A_165 = vector.shape_cast %swap3A_164 : vector<16xi32> to vector<16xi32>
      %swap3A_166 = vector.shape_cast %select_n3A_162 : vector<16xi32> to vector<16xi32>
      tpu.vector_store %arg14[%swap3A_163], %swap3A_166 {strides = array<i32>} : memref<128xi32, #tpu.memory_space<vmem>>, vector<16xi32>,
      %sub3A_167 = vector.broadcast %mul3A_3 : i32 to vector<16xi32>
      %sub3A_168 = arith.subi %add3A_129, %sub3A_167 : vector<16xi32>
      %lt3A_169 = arith.constant 0 : i32
      %lt3A_170 = vector.broadcast %lt3A_169 : i32 to vector<16xi32>
      %lt3A_171 = arith.cmpi slt, %sub3A_168, %lt3A_170 : vector<16xi32>
      %ge3A_172 = arith.constant 10000 : i32
      %ge3A_173 = vector.broadcast %ge3A_172 : i32 to vector<16xi32>
      %ge3A_174 = arith.cmpi sge, %sub3A_168, %ge3A_173 : vector<16xi32>
      %or3A_175 = arith.ori %lt3A_171, %ge3A_174 : vector<16xi1>
      %jit3A_176 = arith.constant 10000 : i32
      %broadcast_in_dim3A_177 = vector.broadcast %jit3A_176 : i32 to vector<16xi32>
      %select_n3A_178 = arith.select %or3A_175, %broadcast_in_dim3A_177, %sub3A_168 : vector<16xi1>, vector<16xi32>
      %swap3A_179 = arith.constant 16 : index
      %swap3A_180 = tpu.vector_load %arg15[%swap3A_179] {strides = array<i32>} : memref<128xi32, #tpu.memory_space<vmem>>, vector<16xi32>,
      %swap3A_181 = vector.shape_cast %swap3A_180 : vector<16xi32> to vector<16xi32>
      %swap3A_182 = vector.shape_cast %select_n3A_178 : vector<16xi32> to vector<16xi32>
      tpu.vector_store %arg15[%swap3A_179], %swap3A_182 {strides = array<i32>} : memref<128xi32, #tpu.memory_space<vmem>>, vector<16xi32>,
      %get3A_183 = arith.constant 32 : index
      %get3A_184 = tpu.vector_load %arg9[%get3A_183] {strides = array<i32>} : memref<128xi32, #tpu.memory_space<vmem>>, vector<16xi32>,
      %get3A_185 = vector.shape_cast %get3A_184 : vector<16xi32> to vector<16xi32>
      %mul3A_186 = arith.constant 10000 : i32
      %mul3A_187 = vector.broadcast %mul3A_186 : i32 to vector<16xi32>
      %mul3A_188 = arith.muli %get3A_185, %mul3A_187 : vector<16xi32>
      %get3A_189 = arith.constant 32 : index
      %get3A_190 = tpu.vector_load %arg10[%get3A_189] {strides = array<i32>} : memref<128xi32, #tpu.memory_space<vmem>>, vector<16xi32>,
      %get3A_191 = vector.shape_cast %get3A_190 : vector<16xi32> to vector<16xi32>
      %add3A_192 = arith.addi %mul3A_188, %get3A_191 : vector<16xi32>
      %mul3A_193 = arith.constant 10000 : i32
      %mul3A_194 = vector.broadcast %mul3A_193 : i32 to vector<16xi32>
      %mul3A_195 = arith.muli %get3A_185, %mul3A_194 : vector<16xi32>
      %get3A_196 = arith.constant 32 : index
      %get3A_197 = tpu.vector_load %arg11[%get3A_196] {strides = array<i32>} : memref<128xi32, #tpu.memory_space<vmem>>, vector<16xi32>,
      %get3A_198 = vector.shape_cast %get3A_197 : vector<16xi32> to vector<16xi32>
      %add3A_199 = arith.addi %mul3A_195, %get3A_198 : vector<16xi32>
      %max3A_200 = arith.constant 0 : i32
      %max3A_201 = vector.broadcast %max3A_200 : i32 to vector<16xi32>
      %max3A_202 = arith.maxsi %add3A_192, %max3A_201 : vector<16xi32>
      %swap3A_203 = arith.constant 32 : index
      %swap3A_204 = tpu.vector_load %arg12[%swap3A_203] {strides = array<i32>} : memref<128xi32, #tpu.memory_space<vmem>>, vector<16xi32>,
      %swap3A_205 = vector.shape_cast %swap3A_204 : vector<16xi32> to vector<16xi32>
      %swap3A_206 = vector.shape_cast %max3A_202 : vector<16xi32> to vector<16xi32>
      tpu.vector_store %arg12[%swap3A_203], %swap3A_206 {strides = array<i32>} : memref<128xi32, #tpu.memory_space<vmem>>, vector<16xi32>,
      %max3A_207 = arith.constant 0 : i32
      %max3A_208 = vector.broadcast %max3A_207 : i32 to vector<16xi32>
      %max3A_209 = arith.maxsi %add3A_199, %max3A_208 : vector<16xi32>
      %swap3A_210 = arith.constant 32 : index
      %swap3A_211 = tpu.vector_load %arg13[%swap3A_210] {strides = array<i32>} : memref<128xi32, #tpu.memory_space<vmem>>, vector<16xi32>,
      %swap3A_212 = vector.shape_cast %swap3A_211 : vector<16xi32> to vector<16xi32>
      %swap3A_213 = vector.shape_cast %max3A_209 : vector<16xi32> to vector<16xi32>
      tpu.vector_store %arg13[%swap3A_210], %swap3A_213 {strides = array<i32>} : memref<128xi32, #tpu.memory_space<vmem>>, vector<16xi32>,
      %sub3A_214 = vector.broadcast %mul3A_3 : i32 to vector<16xi32>
      %sub3A_215 = arith.subi %add3A_199, %sub3A_214 : vector<16xi32>
      %lt3A_216 = arith.constant 0 : i32
      %lt3A_217 = vector.broadcast %lt3A_216 : i32 to vector<16xi32>
      %lt3A_218 = arith.cmpi slt, %sub3A_215, %lt3A_217 : vector<16xi32>
      %ge3A_219 = arith.constant 10000 : i32
      %ge3A_220 = vector.broadcast %ge3A_219 : i32 to vector<16xi32>
      %ge3A_221 = arith.cmpi sge, %sub3A_215, %ge3A_220 : vector<16xi32>
      %or3A_222 = arith.ori %lt3A_218, %ge3A_221 : vector<16xi1>
      %jit3A_223 = arith.constant 10000 : i32
      %broadcast_in_dim3A_224 = vector.broadcast %jit3A_223 : i32 to vector<16xi32>
      %select_n3A_225 = arith.select %or3A_222, %broadcast_in_dim3A_224, %sub3A_215 : vector<16xi1>, vector<16xi32>
      %swap3A_226 = arith.constant 32 : index
      %swap3A_227 = tpu.vector_load %arg14[%swap3A_226] {strides = array<i32>} : memref<128xi32, #tpu.memory_space<vmem>>, vector<16xi32>,
      %swap3A_228 = vector.shape_cast %swap3A_227 : vector<16xi32> to vector<16xi32>
      %swap3A_229 = vector.shape_cast %select_n3A_225 : vector<16xi32> to vector<16xi32>
      tpu.vector_store %arg14[%swap3A_226], %swap3A_229 {strides = array<i32>} : memref<128xi32, #tpu.memory_space<vmem>>, vector<16xi32>,
      %sub3A_230 = vector.broadcast %mul3A_3 : i32 to vector<16xi32>
      %sub3A_231 = arith.subi %add3A_192, %sub3A_230 : vector<16xi32>
      %lt3A_232 = arith.constant 0 : i32
      %lt3A_233 = vector.broadcast %lt3A_232 : i32 to vector<16xi32>
      %lt3A_234 = arith.cmpi slt, %sub3A_231, %lt3A_233 : vector<16xi32>
      %ge3A_235 = arith.constant 10000 : i32
      %ge3A_236 = vector.broadcast %ge3A_235 : i32 to vector<16xi32>
      %ge3A_237 = arith.cmpi sge, %sub3A_231, %ge3A_236 : vector<16xi32>
      %or3A_238 = arith.ori %lt3A_234, %ge3A_237 : vector<16xi1>
      %jit3A_239 = arith.constant 10000 : i32
      %broadcast_in_dim3A_240 = vector.broadcast %jit3A_239 : i32 to vector<16xi32>
      %select_n3A_241 = arith.select %or3A_238, %broadcast_in_dim3A_240, %sub3A_231 : vector<16xi1>, vector<16xi32>
      %swap3A_242 = arith.constant 32 : index
      %swap3A_243 = tpu.vector_load %arg15[%swap3A_242] {strides = array<i32>} : memref<128xi32, #tpu.memory_space<vmem>>, vector<16xi32>,
      %swap3A_244 = vector.shape_cast %swap3A_243 : vector<16xi32> to vector<16xi32>
      %swap3A_245 = vector.shape_cast %select_n3A_241 : vector<16xi32> to vector<16xi32>
      tpu.vector_store %arg15[%swap3A_242], %swap3A_245 {strides = array<i32>} : memref<128xi32, #tpu.memory_space<vmem>>, vector<16xi32>,
      %get3A_246 = arith.constant 48 : index
      %get3A_247 = tpu.vector_load %arg9[%get3A_246] {strides = array<i32>} : memref<128xi32, #tpu.memory_space<vmem>>, vector<16xi32>,
      %get3A_248 = vector.shape_cast %get3A_247 : vector<16xi32> to vector<16xi32>
      %mul3A_249 = arith.constant 10000 : i32
      %mul3A_250 = vector.broadcast %mul3A_249 : i32 to vector<16xi32>
      %mul3A_251 = arith.muli %get3A_248, %mul3A_250 : vector<16xi32>
      %get3A_252 = arith.constant 48 : index
      %get3A_253 = tpu.vector_load %arg10[%get3A_252] {strides = array<i32>} : memref<128xi32, #tpu.memory_space<vmem>>, vector<16xi32>,
      %get3A_254 = vector.shape_cast %get3A_253 : vector<16xi32> to vector<16xi32>
      %add3A_255 = arith.addi %mul3A_251, %get3A_254 : vector<16xi32>
      %mul3A_256 = arith.constant 10000 : i32
      %mul3A_257 = vector.broadcast %mul3A_256 : i32 to vector<16xi32>
      %mul3A_258 = arith.muli %get3A_248, %mul3A_257 : vector<16xi32>
      %get3A_259 = arith.constant 48 : index
      %get3A_260 = tpu.vector_load %arg11[%get3A_259] {strides = array<i32>} : memref<128xi32, #tpu.memory_space<vmem>>, vector<16xi32>,
      %get3A_261 = vector.shape_cast %get3A_260 : vector<16xi32> to vector<16xi32>
      %add3A_262 = arith.addi %mul3A_258, %get3A_261 : vector<16xi32>
      %max3A_263 = arith.constant 0 : i32
      %max3A_264 = vector.broadcast %max3A_263 : i32 to vector<16xi32>
      %max3A_265 = arith.maxsi %add3A_255, %max3A_264 : vector<16xi32>
      %swap3A_266 = arith.constant 48 : index
      %swap3A_267 = tpu.vector_load %arg12[%swap3A_266] {strides = array<i32>} : memref<128xi32, #tpu.memory_space<vmem>>, vector<16xi32>,
      %swap3A_268 = vector.shape_cast %swap3A_267 : vector<16xi32> to vector<16xi32>
      %swap3A_269 = vector.shape_cast %max3A_265 : vector<16xi32> to vector<16xi32>
      tpu.vector_store %arg12[%swap3A_266], %swap3A_269 {strides = array<i32>} : memref<128xi32, #tpu.memory_space<vmem>>, vector<16xi32>,
      %max3A_270 = arith.constant 0 : i32
      %max3A_271 = vector.broadcast %max3A_270 : i32 to vector<16xi32>
      %max3A_272 = arith.maxsi %add3A_262, %max3A_271 : vector<16xi32>
      %swap3A_273 = arith.constant 48 : index
      %swap3A_274 = tpu.vector_load %arg13[%swap3A_273] {strides = array<i32>} : memref<128xi32, #tpu.memory_space<vmem>>, vector<16xi32>,
      %swap3A_275 = vector.shape_cast %swap3A_274 : vector<16xi32> to vector<16xi32>
      %swap3A_276 = vector.shape_cast %max3A_272 : vector<16xi32> to vector<16xi32>
      tpu.vector_store %arg13[%swap3A_273], %swap3A_276 {strides = array<i32>} : memref<128xi32, #tpu.memory_space<vmem>>, vector<16xi32>,
      %sub3A_277 = vector.broadcast %mul3A_3 : i32 to vector<16xi32>
      %sub3A_278 = arith.subi %add3A_262, %sub3A_277 : vector<16xi32>
      %lt3A_279 = arith.constant 0 : i32
      %lt3A_280 = vector.broadcast %lt3A_279 : i32 to vector<16xi32>
      %lt3A_281 = arith.cmpi slt, %sub3A_278, %lt3A_280 : vector<16xi32>
      %ge3A_282 = arith.constant 10000 : i32
      %ge3A_283 = vector.broadcast %ge3A_282 : i32 to vector<16xi32>
      %ge3A_284 = arith.cmpi sge, %sub3A_278, %ge3A_283 : vector<16xi32>
      %or3A_285 = arith.ori %lt3A_281, %ge3A_284 : vector<16xi1>
      %jit3A_286 = arith.constant 10000 : i32
      %broadcast_in_dim3A_287 = vector.broadcast %jit3A_286 : i32 to vector<16xi32>
      %select_n3A_288 = arith.select %or3A_285, %broadcast_in_dim3A_287, %sub3A_278 : vector<16xi1>, vector<16xi32>
      %swap3A_289 = arith.constant 48 : index
      %swap3A_290 = tpu.vector_load %arg14[%swap3A_289] {strides = array<i32>} : memref<128xi32, #tpu.memory_space<vmem>>, vector<16xi32>,
      %swap3A_291 = vector.shape_cast %swap3A_290 : vector<16xi32> to vector<16xi32>
      %swap3A_292 = vector.shape_cast %select_n3A_288 : vector<16xi32> to vector<16xi32>
      tpu.vector_store %arg14[%swap3A_289], %swap3A_292 {strides = array<i32>} : memref<128xi32, #tpu.memory_space<vmem>>, vector<16xi32>,
      %sub3A_293 = vector.broadcast %mul3A_3 : i32 to vector<16xi32>
      %sub3A_294 = arith.subi %add3A_255, %sub3A_293 : vector<16xi32>
      %lt3A_295 = arith.constant 0 : i32
      %lt3A_296 = vector.broadcast %lt3A_295 : i32 to vector<16xi32>
      %lt3A_297 = arith.cmpi slt, %sub3A_294, %lt3A_296 : vector<16xi32>
      %ge3A_298 = arith.constant 10000 : i32
      %ge3A_299 = vector.broadcast %ge3A_298 : i32 to vector<16xi32>
      %ge3A_300 = arith.cmpi sge, %sub3A_294, %ge3A_299 : vector<16xi32>
      %or3A_301 = arith.ori %lt3A_297, %ge3A_300 : vector<16xi1>
      %jit3A_302 = arith.constant 10000 : i32
      %broadcast_in_dim3A_303 = vector.broadcast %jit3A_302 : i32 to vector<16xi32>
      %select_n3A_304 = arith.select %or3A_301, %broadcast_in_dim3A_303, %sub3A_294 : vector<16xi1>, vector<16xi32>
      %swap3A_305 = arith.constant 48 : index
      %swap3A_306 = tpu.vector_load %arg15[%swap3A_305] {strides = array<i32>} : memref<128xi32, #tpu.memory_space<vmem>>, vector<16xi32>,
      %swap3A_307 = vector.shape_cast %swap3A_306 : vector<16xi32> to vector<16xi32>
      %swap3A_308 = vector.shape_cast %select_n3A_304 : vector<16xi32> to vector<16xi32>
      tpu.vector_store %arg15[%swap3A_305], %swap3A_308 {strides = array<i32>} : memref<128xi32, #tpu.memory_space<vmem>>, vector<16xi32>,
      %get3A_309 = arith.constant 64 : index
      %get3A_310 = tpu.vector_load %arg9[%get3A_309] {strides = array<i32>} : memref<128xi32, #tpu.memory_space<vmem>>, vector<16xi32>,
      %get3A_311 = vector.shape_cast %get3A_310 : vector<16xi32> to vector<16xi32>
      %mul3A_312 = arith.constant 10000 : i32
      %mul3A_313 = vector.broadcast %mul3A_312 : i32 to vector<16xi32>
      %mul3A_314 = arith.muli %get3A_311, %mul3A_313 : vector<16xi32>
      %get3A_315 = arith.constant 64 : index
      %get3A_316 = tpu.vector_load %arg10[%get3A_315] {strides = array<i32>} : memref<128xi32, #tpu.memory_space<vmem>>, vector<16xi32>,
      %get3A_317 = vector.shape_cast %get3A_316 : vector<16xi32> to vector<16xi32>
      %add3A_318 = arith.addi %mul3A_314, %get3A_317 : vector<16xi32>
      %mul3A_319 = arith.constant 10000 : i32
      %mul3A_320 = vector.broadcast %mul3A_319 : i32 to vector<16xi32>
      %mul3A_321 = arith.muli %get3A_311, %mul3A_320 : vector<16xi32>
      %get3A_322 = arith.constant 64 : index
      %get3A_323 = tpu.vector_load %arg11[%get3A_322] {strides = array<i32>} : memref<128xi32, #tpu.memory_space<vmem>>, vector<16xi32>,
      %get3A_324 = vector.shape_cast %get3A_323 : vector<16xi32> to vector<16xi32>
      %add3A_325 = arith.addi %mul3A_321, %get3A_324 : vector<16xi32>
      %max3A_326 = arith.constant 0 : i32
      %max3A_327 = vector.broadcast %max3A_326 : i32 to vector<16xi32>
      %max3A_328 = arith.maxsi %add3A_318, %max3A_327 : vector<16xi32>
      %swap3A_329 = arith.constant 64 : index
      %swap3A_330 = tpu.vector_load %arg12[%swap3A_329] {strides = array<i32>} : memref<128xi32, #tpu.memory_space<vmem>>, vector<16xi32>,
      %swap3A_331 = vector.shape_cast %swap3A_330 : vector<16xi32> to vector<16xi32>
      %swap3A_332 = vector.shape_cast %max3A_328 : vector<16xi32> to vector<16xi32>
      tpu.vector_store %arg12[%swap3A_329], %swap3A_332 {strides = array<i32>} : memref<128xi32, #tpu.memory_space<vmem>>, vector<16xi32>,
      %max3A_333 = arith.constant 0 : i32
      %max3A_334 = vector.broadcast %max3A_333 : i32 to vector<16xi32>
      %max3A_335 = arith.maxsi %add3A_325, %max3A_334 : vector<16xi32>
      %swap3A_336 = arith.constant 64 : index
      %swap3A_337 = tpu.vector_load %arg13[%swap3A_336] {strides = array<i32>} : memref<128xi32, #tpu.memory_space<vmem>>, vector<16xi32>,
      %swap3A_338 = vector.shape_cast %swap3A_337 : vector<16xi32> to vector<16xi32>
      %swap3A_339 = vector.shape_cast %max3A_335 : vector<16xi32> to vector<16xi32>
      tpu.vector_store %arg13[%swap3A_336], %swap3A_339 {strides = array<i32>} : memref<128xi32, #tpu.memory_space<vmem>>, vector<16xi32>,
      %sub3A_340 = vector.broadcast %mul3A_3 : i32 to vector<16xi32>
      %sub3A_341 = arith.subi %add3A_325, %sub3A_340 : vector<16xi32>
      %lt3A_342 = arith.constant 0 : i32
      %lt3A_343 = vector.broadcast %lt3A_342 : i32 to vector<16xi32>
      %lt3A_344 = arith.cmpi slt, %sub3A_341, %lt3A_343 : vector<16xi32>
      %ge3A_345 = arith.constant 10000 : i32
      %ge3A_346 = vector.broadcast %ge3A_345 : i32 to vector<16xi32>
      %ge3A_347 = arith.cmpi sge, %sub3A_341, %ge3A_346 : vector<16xi32>
      %or3A_348 = arith.ori %lt3A_344, %ge3A_347 : vector<16xi1>
      %jit3A_349 = arith.constant 10000 : i32
      %broadcast_in_dim3A_350 = vector.broadcast %jit3A_349 : i32 to vector<16xi32>
      %select_n3A_351 = arith.select %or3A_348, %broadcast_in_dim3A_350, %sub3A_341 : vector<16xi1>, vector<16xi32>
      %swap3A_352 = arith.constant 64 : index
      %swap3A_353 = tpu.vector_load %arg14[%swap3A_352] {strides = array<i32>} : memref<128xi32, #tpu.memory_space<vmem>>, vector<16xi32>,
      %swap3A_354 = vector.shape_cast %swap3A_353 : vector<16xi32> to vector<16xi32>
      %swap3A_355 = vector.shape_cast %select_n3A_351 : vector<16xi32> to vector<16xi32>
      tpu.vector_store %arg14[%swap3A_352], %swap3A_355 {strides = array<i32>} : memref<128xi32, #tpu.memory_space<vmem>>, vector<16xi32>,
      %sub3A_356 = vector.broadcast %mul3A_3 : i32 to vector<16xi32>
      %sub3A_357 = arith.subi %add3A_318, %sub3A_356 : vector<16xi32>
      %lt3A_358 = arith.constant 0 : i32
      %lt3A_359 = vector.broadcast %lt3A_358 : i32 to vector<16xi32>
      %lt3A_360 = arith.cmpi slt, %sub3A_357, %lt3A_359 : vector<16xi32>
      %ge3A_361 = arith.constant 10000 : i32
      %ge3A_362 = vector.broadcast %ge3A_361 : i32 to vector<16xi32>
      %ge3A_363 = arith.cmpi sge, %sub3A_357, %ge3A_362 : vector<16xi32>
      %or3A_364 = arith.ori %lt3A_360, %ge3A_363 : vector<16xi1>
      %jit3A_365 = arith.constant 10000 : i32
      %broadcast_in_dim3A_366 = vector.broadcast %jit3A_365 : i32 to vector<16xi32>
      %select_n3A_367 = arith.select %or3A_364, %broadcast_in_dim3A_366, %sub3A_357 : vector<16xi1>, vector<16xi32>
      %swap3A_368 = arith.constant 64 : index
      %swap3A_369 = tpu.vector_load %arg15[%swap3A_368] {strides = array<i32>} : memref<128xi32, #tpu.memory_space<vmem>>, vector<16xi32>,
      %swap3A_370 = vector.shape_cast %swap3A_369 : vector<16xi32> to vector<16xi32>
      %swap3A_371 = vector.shape_cast %select_n3A_367 : vector<16xi32> to vector<16xi32>
      tpu.vector_store %arg15[%swap3A_368], %swap3A_371 {strides = array<i32>} : memref<128xi32, #tpu.memory_space<vmem>>, vector<16xi32>,
      %get3A_372 = arith.constant 80 : index
      %get3A_373 = tpu.vector_load %arg9[%get3A_372] {strides = array<i32>} : memref<128xi32, #tpu.memory_space<vmem>>, vector<16xi32>,
      %get3A_374 = vector.shape_cast %get3A_373 : vector<16xi32> to vector<16xi32>
      %mul3A_375 = arith.constant 10000 : i32
      %mul3A_376 = vector.broadcast %mul3A_375 : i32 to vector<16xi32>
      %mul3A_377 = arith.muli %get3A_374, %mul3A_376 : vector<16xi32>
      %get3A_378 = arith.constant 80 : index
      %get3A_379 = tpu.vector_load %arg10[%get3A_378] {strides = array<i32>} : memref<128xi32, #tpu.memory_space<vmem>>, vector<16xi32>,
      %get3A_380 = vector.shape_cast %get3A_379 : vector<16xi32> to vector<16xi32>
      %add3A_381 = arith.addi %mul3A_377, %get3A_380 : vector<16xi32>
      %mul3A_382 = arith.constant 10000 : i32
      %mul3A_383 = vector.broadcast %mul3A_382 : i32 to vector<16xi32>
      %mul3A_384 = arith.muli %get3A_374, %mul3A_383 : vector<16xi32>
      %get3A_385 = arith.constant 80 : index
      %get3A_386 = tpu.vector_load %arg11[%get3A_385] {strides = array<i32>} : memref<128xi32, #tpu.memory_space<vmem>>, vector<16xi32>,
      %get3A_387 = vector.shape_cast %get3A_386 : vector<16xi32> to vector<16xi32>
      %add3A_388 = arith.addi %mul3A_384, %get3A_387 : vector<16xi32>
      %max3A_389 = arith.constant 0 : i32
      %max3A_390 = vector.broadcast %max3A_389 : i32 to vector<16xi32>
      %max3A_391 = arith.maxsi %add3A_381, %max3A_390 : vector<16xi32>
      %swap3A_392 = arith.constant 80 : index
      %swap3A_393 = tpu.vector_load %arg12[%swap3A_392] {strides = array<i32>} : memref<128xi32, #tpu.memory_space<vmem>>, vector<16xi32>,
      %swap3A_394 = vector.shape_cast %swap3A_393 : vector<16xi32> to vector<16xi32>
      %swap3A_395 = vector.shape_cast %max3A_391 : vector<16xi32> to vector<16xi32>
      tpu.vector_store %arg12[%swap3A_392], %swap3A_395 {strides = array<i32>} : memref<128xi32, #tpu.memory_space<vmem>>, vector<16xi32>,
      %max3A_396 = arith.constant 0 : i32
      %max3A_397 = vector.broadcast %max3A_396 : i32 to vector<16xi32>
      %max3A_398 = arith.maxsi %add3A_388, %max3A_397 : vector<16xi32>
      %swap3A_399 = arith.constant 80 : index
      %swap3A_400 = tpu.vector_load %arg13[%swap3A_399] {strides = array<i32>} : memref<128xi32, #tpu.memory_space<vmem>>, vector<16xi32>,
      %swap3A_401 = vector.shape_cast %swap3A_400 : vector<16xi32> to vector<16xi32>
      %swap3A_402 = vector.shape_cast %max3A_398 : vector<16xi32> to vector<16xi32>
      tpu.vector_store %arg13[%swap3A_399], %swap3A_402 {strides = array<i32>} : memref<128xi32, #tpu.memory_space<vmem>>, vector<16xi32>,
      %sub3A_403 = vector.broadcast %mul3A_3 : i32 to vector<16xi32>
      %sub3A_404 = arith.subi %add3A_388, %sub3A_403 : vector<16xi32>
      %lt3A_405 = arith.constant 0 : i32
      %lt3A_406 = vector.broadcast %lt3A_405 : i32 to vector<16xi32>
      %lt3A_407 = arith.cmpi slt, %sub3A_404, %lt3A_406 : vector<16xi32>
      %ge3A_408 = arith.constant 10000 : i32
      %ge3A_409 = vector.broadcast %ge3A_408 : i32 to vector<16xi32>
      %ge3A_410 = arith.cmpi sge, %sub3A_404, %ge3A_409 : vector<16xi32>
      %or3A_411 = arith.ori %lt3A_407, %ge3A_410 : vector<16xi1>
      %jit3A_412 = arith.constant 10000 : i32
      %broadcast_in_dim3A_413 = vector.broadcast %jit3A_412 : i32 to vector<16xi32>
      %select_n3A_414 = arith.select %or3A_411, %broadcast_in_dim3A_413, %sub3A_404 : vector<16xi1>, vector<16xi32>
      %swap3A_415 = arith.constant 80 : index
      %swap3A_416 = tpu.vector_load %arg14[%swap3A_415] {strides = array<i32>} : memref<128xi32, #tpu.memory_space<vmem>>, vector<16xi32>,
      %swap3A_417 = vector.shape_cast %swap3A_416 : vector<16xi32> to vector<16xi32>
      %swap3A_418 = vector.shape_cast %select_n3A_414 : vector<16xi32> to vector<16xi32>
      tpu.vector_store %arg14[%swap3A_415], %swap3A_418 {strides = array<i32>} : memref<128xi32, #tpu.memory_space<vmem>>, vector<16xi32>,
      %sub3A_419 = vector.broadcast %mul3A_3 : i32 to vector<16xi32>
      %sub3A_420 = arith.subi %add3A_381, %sub3A_419 : vector<16xi32>
      %lt3A_421 = arith.constant 0 : i32
      %lt3A_422 = vector.broadcast %lt3A_421 : i32 to vector<16xi32>
      %lt3A_423 = arith.cmpi slt, %sub3A_420, %lt3A_422 : vector<16xi32>
      %ge3A_424 = arith.constant 10000 : i32
      %ge3A_425 = vector.broadcast %ge3A_424 : i32 to vector<16xi32>
      %ge3A_426 = arith.cmpi sge, %sub3A_420, %ge3A_425 : vector<16xi32>
      %or3A_427 = arith.ori %lt3A_423, %ge3A_426 : vector<16xi1>
      %jit3A_428 = arith.constant 10000 : i32
      %broadcast_in_dim3A_429 = vector.broadcast %jit3A_428 : i32 to vector<16xi32>
      %select_n3A_430 = arith.select %or3A_427, %broadcast_in_dim3A_429, %sub3A_420 : vector<16xi1>, vector<16xi32>
      %swap3A_431 = arith.constant 80 : index
      %swap3A_432 = tpu.vector_load %arg15[%swap3A_431] {strides = array<i32>} : memref<128xi32, #tpu.memory_space<vmem>>, vector<16xi32>,
      %swap3A_433 = vector.shape_cast %swap3A_432 : vector<16xi32> to vector<16xi32>
      %swap3A_434 = vector.shape_cast %select_n3A_430 : vector<16xi32> to vector<16xi32>
      tpu.vector_store %arg15[%swap3A_431], %swap3A_434 {strides = array<i32>} : memref<128xi32, #tpu.memory_space<vmem>>, vector<16xi32>,
      %get3A_435 = arith.constant 96 : index
      %get3A_436 = tpu.vector_load %arg9[%get3A_435] {strides = array<i32>} : memref<128xi32, #tpu.memory_space<vmem>>, vector<16xi32>,
      %get3A_437 = vector.shape_cast %get3A_436 : vector<16xi32> to vector<16xi32>
      %mul3A_438 = arith.constant 10000 : i32
      %mul3A_439 = vector.broadcast %mul3A_438 : i32 to vector<16xi32>
      %mul3A_440 = arith.muli %get3A_437, %mul3A_439 : vector<16xi32>
      %get3A_441 = arith.constant 96 : index
      %get3A_442 = tpu.vector_load %arg10[%get3A_441] {strides = array<i32>} : memref<128xi32, #tpu.memory_space<vmem>>, vector<16xi32>,
      %get3A_443 = vector.shape_cast %get3A_442 : vector<16xi32> to vector<16xi32>
      %add3A_444 = arith.addi %mul3A_440, %get3A_443 : vector<16xi32>
      %mul3A_445 = arith.constant 10000 : i32
      %mul3A_446 = vector.broadcast %mul3A_445 : i32 to vector<16xi32>
      %mul3A_447 = arith.muli %get3A_437, %mul3A_446 : vector<16xi32>
      %get3A_448 = arith.constant 96 : index
      %get3A_449 = tpu.vector_load %arg11[%get3A_448] {strides = array<i32>} : memref<128xi32, #tpu.memory_space<vmem>>, vector<16xi32>,
      %get3A_450 = vector.shape_cast %get3A_449 : vector<16xi32> to vector<16xi32>
      %add3A_451 = arith.addi %mul3A_447, %get3A_450 : vector<16xi32>
      %max3A_452 = arith.constant 0 : i32
      %max3A_453 = vector.broadcast %max3A_452 : i32 to vector<16xi32>
      %max3A_454 = arith.maxsi %add3A_444, %max3A_453 : vector<16xi32>
      %swap3A_455 = arith.constant 96 : index
      %swap3A_456 = tpu.vector_load %arg12[%swap3A_455] {strides = array<i32>} : memref<128xi32, #tpu.memory_space<vmem>>, vector<16xi32>,
      %swap3A_457 = vector.shape_cast %swap3A_456 : vector<16xi32> to vector<16xi32>
      %swap3A_458 = vector.shape_cast %max3A_454 : vector<16xi32> to vector<16xi32>
      tpu.vector_store %arg12[%swap3A_455], %swap3A_458 {strides = array<i32>} : memref<128xi32, #tpu.memory_space<vmem>>, vector<16xi32>,
      %max3A_459 = arith.constant 0 : i32
      %max3A_460 = vector.broadcast %max3A_459 : i32 to vector<16xi32>
      %max3A_461 = arith.maxsi %add3A_451, %max3A_460 : vector<16xi32>
      %swap3A_462 = arith.constant 96 : index
      %swap3A_463 = tpu.vector_load %arg13[%swap3A_462] {strides = array<i32>} : memref<128xi32, #tpu.memory_space<vmem>>, vector<16xi32>,
      %swap3A_464 = vector.shape_cast %swap3A_463 : vector<16xi32> to vector<16xi32>
      %swap3A_465 = vector.shape_cast %max3A_461 : vector<16xi32> to vector<16xi32>
      tpu.vector_store %arg13[%swap3A_462], %swap3A_465 {strides = array<i32>} : memref<128xi32, #tpu.memory_space<vmem>>, vector<16xi32>,
      %sub3A_466 = vector.broadcast %mul3A_3 : i32 to vector<16xi32>
      %sub3A_467 = arith.subi %add3A_451, %sub3A_466 : vector<16xi32>
      %lt3A_468 = arith.constant 0 : i32
      %lt3A_469 = vector.broadcast %lt3A_468 : i32 to vector<16xi32>
      %lt3A_470 = arith.cmpi slt, %sub3A_467, %lt3A_469 : vector<16xi32>
      %ge3A_471 = arith.constant 10000 : i32
      %ge3A_472 = vector.broadcast %ge3A_471 : i32 to vector<16xi32>
      %ge3A_473 = arith.cmpi sge, %sub3A_467, %ge3A_472 : vector<16xi32>
      %or3A_474 = arith.ori %lt3A_470, %ge3A_473 : vector<16xi1>
      %jit3A_475 = arith.constant 10000 : i32
      %broadcast_in_dim3A_476 = vector.broadcast %jit3A_475 : i32 to vector<16xi32>
      %select_n3A_477 = arith.select %or3A_474, %broadcast_in_dim3A_476, %sub3A_467 : vector<16xi1>, vector<16xi32>
      %swap3A_478 = arith.constant 96 : index
      %swap3A_479 = tpu.vector_load %arg14[%swap3A_478] {strides = array<i32>} : memref<128xi32, #tpu.memory_space<vmem>>, vector<16xi32>,
      %swap3A_480 = vector.shape_cast %swap3A_479 : vector<16xi32> to vector<16xi32>
      %swap3A_481 = vector.shape_cast %select_n3A_477 : vector<16xi32> to vector<16xi32>
      tpu.vector_store %arg14[%swap3A_478], %swap3A_481 {strides = array<i32>} : memref<128xi32, #tpu.memory_space<vmem>>, vector<16xi32>,
      %sub3A_482 = vector.broadcast %mul3A_3 : i32 to vector<16xi32>
      %sub3A_483 = arith.subi %add3A_444, %sub3A_482 : vector<16xi32>
      %lt3A_484 = arith.constant 0 : i32
      %lt3A_485 = vector.broadcast %lt3A_484 : i32 to vector<16xi32>
      %lt3A_486 = arith.cmpi slt, %sub3A_483, %lt3A_485 : vector<16xi32>
      %ge3A_487 = arith.constant 10000 : i32
      %ge3A_488 = vector.broadcast %ge3A_487 : i32 to vector<16xi32>
      %ge3A_489 = arith.cmpi sge, %sub3A_483, %ge3A_488 : vector<16xi32>
      %or3A_490 = arith.ori %lt3A_486, %ge3A_489 : vector<16xi1>
      %jit3A_491 = arith.constant 10000 : i32
      %broadcast_in_dim3A_492 = vector.broadcast %jit3A_491 : i32 to vector<16xi32>
      %select_n3A_493 = arith.select %or3A_490, %broadcast_in_dim3A_492, %sub3A_483 : vector<16xi1>, vector<16xi32>
      %swap3A_494 = arith.constant 96 : index
      %swap3A_495 = tpu.vector_load %arg15[%swap3A_494] {strides = array<i32>} : memref<128xi32, #tpu.memory_space<vmem>>, vector<16xi32>,
      %swap3A_496 = vector.shape_cast %swap3A_495 : vector<16xi32> to vector<16xi32>
      %swap3A_497 = vector.shape_cast %select_n3A_493 : vector<16xi32> to vector<16xi32>
      tpu.vector_store %arg15[%swap3A_494], %swap3A_497 {strides = array<i32>} : memref<128xi32, #tpu.memory_space<vmem>>, vector<16xi32>,
      %get3A_498 = arith.constant 112 : index
      %get3A_499 = tpu.vector_load %arg9[%get3A_498] {strides = array<i32>} : memref<128xi32, #tpu.memory_space<vmem>>, vector<16xi32>,
      %get3A_500 = vector.shape_cast %get3A_499 : vector<16xi32> to vector<16xi32>
      %mul3A_501 = arith.constant 10000 : i32
      %mul3A_502 = vector.broadcast %mul3A_501 : i32 to vector<16xi32>
      %mul3A_503 = arith.muli %get3A_500, %mul3A_502 : vector<16xi32>
      %get3A_504 = arith.constant 112 : index
      %get3A_505 = tpu.vector_load %arg10[%get3A_504] {strides = array<i32>} : memref<128xi32, #tpu.memory_space<vmem>>, vector<16xi32>,
      %get3A_506 = vector.shape_cast %get3A_505 : vector<16xi32> to vector<16xi32>
      %add3A_507 = arith.addi %mul3A_503, %get3A_506 : vector<16xi32>
      %mul3A_508 = arith.constant 10000 : i32
      %mul3A_509 = vector.broadcast %mul3A_508 : i32 to vector<16xi32>
      %mul3A_510 = arith.muli %get3A_500, %mul3A_509 : vector<16xi32>
      %get3A_511 = arith.constant 112 : index
      %get3A_512 = tpu.vector_load %arg11[%get3A_511] {strides = array<i32>} : memref<128xi32, #tpu.memory_space<vmem>>, vector<16xi32>,
      %get3A_513 = vector.shape_cast %get3A_512 : vector<16xi32> to vector<16xi32>
      %add3A_514 = arith.addi %mul3A_510, %get3A_513 : vector<16xi32>
      %max3A_515 = arith.constant 0 : i32
      %max3A_516 = vector.broadcast %max3A_515 : i32 to vector<16xi32>
      %max3A_517 = arith.maxsi %add3A_507, %max3A_516 : vector<16xi32>
      %swap3A_518 = arith.constant 112 : index
      %swap3A_519 = tpu.vector_load %arg12[%swap3A_518] {strides = array<i32>} : memref<128xi32, #tpu.memory_space<vmem>>, vector<16xi32>,
      %swap3A_520 = vector.shape_cast %swap3A_519 : vector<16xi32> to vector<16xi32>
      %swap3A_521 = vector.shape_cast %max3A_517 : vector<16xi32> to vector<16xi32>
      tpu.vector_store %arg12[%swap3A_518], %swap3A_521 {strides = array<i32>} : memref<128xi32, #tpu.memory_space<vmem>>, vector<16xi32>,
      %max3A_522 = arith.constant 0 : i32
      %max3A_523 = vector.broadcast %max3A_522 : i32 to vector<16xi32>
      %max3A_524 = arith.maxsi %add3A_514, %max3A_523 : vector<16xi32>
      %swap3A_525 = arith.constant 112 : index
      %swap3A_526 = tpu.vector_load %arg13[%swap3A_525] {strides = array<i32>} : memref<128xi32, #tpu.memory_space<vmem>>, vector<16xi32>,
      %swap3A_527 = vector.shape_cast %swap3A_526 : vector<16xi32> to vector<16xi32>
      %swap3A_528 = vector.shape_cast %max3A_524 : vector<16xi32> to vector<16xi32>
      tpu.vector_store %arg13[%swap3A_525], %swap3A_528 {strides = array<i32>} : memref<128xi32, #tpu.memory_space<vmem>>, vector<16xi32>,
      %sub3A_529 = vector.broadcast %mul3A_3 : i32 to vector<16xi32>
      %sub3A_530 = arith.subi %add3A_514, %sub3A_529 : vector<16xi32>
      %lt3A_531 = arith.constant 0 : i32
      %lt3A_532 = vector.broadcast %lt3A_531 : i32 to vector<16xi32>
      %lt3A_533 = arith.cmpi slt, %sub3A_530, %lt3A_532 : vector<16xi32>
      %ge3A_534 = arith.constant 10000 : i32
      %ge3A_535 = vector.broadcast %ge3A_534 : i32 to vector<16xi32>
      %ge3A_536 = arith.cmpi sge, %sub3A_530, %ge3A_535 : vector<16xi32>
      %or3A_537 = arith.ori %lt3A_533, %ge3A_536 : vector<16xi1>
      %jit3A_538 = arith.constant 10000 : i32
      %broadcast_in_dim3A_539 = vector.broadcast %jit3A_538 : i32 to vector<16xi32>
      %select_n3A_540 = arith.select %or3A_537, %broadcast_in_dim3A_539, %sub3A_530 : vector<16xi1>, vector<16xi32>
      %swap3A_541 = arith.constant 112 : index
      %swap3A_542 = tpu.vector_load %arg14[%swap3A_541] {strides = array<i32>} : memref<128xi32, #tpu.memory_space<vmem>>, vector<16xi32>,
      %swap3A_543 = vector.shape_cast %swap3A_542 : vector<16xi32> to vector<16xi32>
      %swap3A_544 = vector.shape_cast %select_n3A_540 : vector<16xi32> to vector<16xi32>
      tpu.vector_store %arg14[%swap3A_541], %swap3A_544 {strides = array<i32>} : memref<128xi32, #tpu.memory_space<vmem>>, vector<16xi32>,
      %sub3A_545 = vector.broadcast %mul3A_3 : i32 to vector<16xi32>
      %sub3A_546 = arith.subi %add3A_507, %sub3A_545 : vector<16xi32>
      %lt3A_547 = arith.constant 0 : i32
      %lt3A_548 = vector.broadcast %lt3A_547 : i32 to vector<16xi32>
      %lt3A_549 = arith.cmpi slt, %sub3A_546, %lt3A_548 : vector<16xi32>
      %ge3A_550 = arith.constant 10000 : i32
      %ge3A_551 = vector.broadcast %ge3A_550 : i32 to vector<16xi32>
      %ge3A_552 = arith.cmpi sge, %sub3A_546, %ge3A_551 : vector<16xi32>
      %or3A_553 = arith.ori %lt3A_549, %ge3A_552 : vector<16xi1>
      %jit3A_554 = arith.constant 10000 : i32
      %broadcast_in_dim3A_555 = vector.broadcast %jit3A_554 : i32 to vector<16xi32>
      %select_n3A_556 = arith.select %or3A_553, %broadcast_in_dim3A_555, %sub3A_546 : vector<16xi1>, vector<16xi32>
      %swap3A_557 = arith.constant 112 : index
      %swap3A_558 = tpu.vector_load %arg15[%swap3A_557] {strides = array<i32>} : memref<128xi32, #tpu.memory_space<vmem>>, vector<16xi32>,
      %swap3A_559 = vector.shape_cast %swap3A_558 : vector<16xi32> to vector<16xi32>
      %swap3A_560 = vector.shape_cast %select_n3A_556 : vector<16xi32> to vector<16xi32>
      tpu.vector_store %arg15[%swap3A_557], %swap3A_560 {strides = array<i32>} : memref<128xi32, #tpu.memory_space<vmem>>, vector<16xi32>,
      %dma_start3A_561 = arith.constant 0 : i32
      %dma_start3A_562 = arith.constant 0 : i32
      %dma_start3A_563 = tpu.memref_slice %arg2[%dma_start3A_561, %dma_start3A_562] : memref<40000x128xf32, #tpu.memory_space<hbm>> -> memref<40000x128xf32, #tpu.memory_space<hbm>>
      tpu.enqueue_indirect_dma source(%dma_start3A_563 : memref<40000x128xf32, #tpu.memory_space<hbm>>) target(%arg16 : memref<128x128xf32, #tpu.memory_space<vmem>>) offsets(%arg12 : memref<128xi32, #tpu.memory_space<vmem>>) semaphore(%arg19 : memref<!tpu.dma_semaphore, #tpu.memory_space<semaphore_mem>>)
      %dma_start3A_564 = arith.constant 0 : i32
      %dma_start3A_565 = arith.constant 0 : i32
      %dma_start3A_566 = tpu.memref_slice %arg2[%dma_start3A_564, %dma_start3A_565] : memref<40000x128xf32, #tpu.memory_space<hbm>> -> memref<40000x128xf32, #tpu.memory_space<hbm>>
      tpu.enqueue_indirect_dma source(%dma_start3A_566 : memref<40000x128xf32, #tpu.memory_space<hbm>>) target(%arg17 : memref<128x128xf32, #tpu.memory_space<vmem>>) offsets(%arg13 : memref<128xi32, #tpu.memory_space<vmem>>) semaphore(%arg20 : memref<!tpu.dma_semaphore, #tpu.memory_space<semaphore_mem>>)
      %dma_wait3A_567 = arith.constant 0 : i32
      %dma_wait3A_568 = arith.constant 0 : i32
      %dma_wait3A_569 = tpu.memref_slice %arg2[%dma_wait3A_567, %dma_wait3A_568] : memref<40000x128xf32, #tpu.memory_space<hbm>> -> memref<40000x128xf32, #tpu.memory_space<hbm>>
      tpu.wait_indirect_dma semaphore(%arg19 : memref<!tpu.dma_semaphore, #tpu.memory_space<semaphore_mem>>) src(%dma_wait3A_569 : memref<40000x128xf32, #tpu.memory_space<hbm>>) dst(%arg16 : memref<128x128xf32, #tpu.memory_space<vmem>>)
      "tpu.region"() ({
        %run_scoped3A = tpu.sem_alloc : memref<!tpu.dma_semaphore, #tpu.memory_space<semaphore_mem>>
        %dma_start3A_573 = arith.constant 0 : i32
        %dma_start3A_574 = arith.constant 0 : i32
        %dma_start3A_575 = tpu.memref_slice %arg8[%dma_start3A_573, %dma_start3A_574] : memref<10112x128xf32, #tpu.memory_space<vmem_shared>> -> memref<10112x128xf32, #tpu.memory_space<vmem_shared>>
        tpu.enqueue_indirect_dma source(%arg16 : memref<128x128xf32, #tpu.memory_space<vmem>>) target(%dma_start3A_575 : memref<10112x128xf32, #tpu.memory_space<vmem_shared>>) offsets(%arg14 : memref<128xi32, #tpu.memory_space<vmem>>) semaphore(%run_scoped3A : memref<!tpu.dma_semaphore, #tpu.memory_space<semaphore_mem>>) {add = true}
        %dma_wait3A_576 = arith.constant 0 : i32
        %dma_wait3A_577 = arith.constant 0 : i32
        %dma_wait3A_578 = tpu.memref_slice %arg8[%dma_wait3A_576, %dma_wait3A_577] : memref<10112x128xf32, #tpu.memory_space<vmem_shared>> -> memref<10112x128xf32, #tpu.memory_space<vmem_shared>>
        tpu.wait_indirect_dma semaphore(%run_scoped3A : memref<!tpu.dma_semaphore, #tpu.memory_space<semaphore_mem>>) src(%arg16 : memref<128x128xf32, #tpu.memory_space<vmem>>) dst(%dma_wait3A_578 : memref<10112x128xf32, #tpu.memory_space<vmem_shared>>)
        tpu.yield
      }) : () -> ()
      %dma_wait3A_570 = arith.constant 0 : i32
      %dma_wait3A_571 = arith.constant 0 : i32
      %dma_wait3A_572 = tpu.memref_slice %arg2[%dma_wait3A_570, %dma_wait3A_571] : memref<40000x128xf32, #tpu.memory_space<hbm>> -> memref<40000x128xf32, #tpu.memory_space<hbm>>
      tpu.wait_indirect_dma semaphore(%arg20 : memref<!tpu.dma_semaphore, #tpu.memory_space<semaphore_mem>>) src(%dma_wait3A_572 : memref<40000x128xf32, #tpu.memory_space<hbm>>) dst(%arg17 : memref<128x128xf32, #tpu.memory_space<vmem>>)
      "tpu.region"() ({
        %run_scoped3A = tpu.sem_alloc : memref<!tpu.dma_semaphore, #tpu.memory_space<semaphore_mem>>
        %dma_start3A_573 = arith.constant 0 : i32
        %dma_start3A_574 = arith.constant 0 : i32
        %dma_start3A_575 = tpu.memref_slice %arg8[%dma_start3A_573, %dma_start3A_574] : memref<10112x128xf32, #tpu.memory_space<vmem_shared>> -> memref<10112x128xf32, #tpu.memory_space<vmem_shared>>
        tpu.enqueue_indirect_dma source(%arg17 : memref<128x128xf32, #tpu.memory_space<vmem>>) target(%dma_start3A_575 : memref<10112x128xf32, #tpu.memory_space<vmem_shared>>) offsets(%arg15 : memref<128xi32, #tpu.memory_space<vmem>>) semaphore(%run_scoped3A : memref<!tpu.dma_semaphore, #tpu.memory_space<semaphore_mem>>) {add = true}
        %dma_wait3A_576 = arith.constant 0 : i32
        %dma_wait3A_577 = arith.constant 0 : i32
        %dma_wait3A_578 = tpu.memref_slice %arg8[%dma_wait3A_576, %dma_wait3A_577] : memref<10112x128xf32, #tpu.memory_space<vmem_shared>> -> memref<10112x128xf32, #tpu.memory_space<vmem_shared>>
        tpu.wait_indirect_dma semaphore(%run_scoped3A : memref<!tpu.dma_semaphore, #tpu.memory_space<semaphore_mem>>) src(%arg17 : memref<128x128xf32, #tpu.memory_space<vmem>>) dst(%dma_wait3A_578 : memref<10112x128xf32, #tpu.memory_space<vmem_shared>>)
        tpu.yield
      }) : () -> ()
    }
    %scan3A_12 = arith.constant 245 : i32
    %barrier3A_13 = arith.constant 0 : index
    tpu.barrier barrier_id(%barrier3A_13)
    %mul3A_14 = arith.constant 624 : i32
    %mul3A_15 = arith.muli %arg1, %mul3A_14 : i32
    %mul3A_16 = arith.constant 624 : i32
    %mul3A_17 = arith.muli %arg1, %mul3A_16 : i32
    %add3A_18 = arith.addi %mul3A_3, %mul3A_17 : i32
    "tpu.region"() ({
      %run_scoped3A = tpu.sem_alloc : memref<!tpu.dma_semaphore, #tpu.memory_space<semaphore_mem>>
      %dma_start3A = arith.constant 0 : i32
      %dma_start3A_51 = tpu.memref_slice %arg7[%add3A_18, %dma_start3A] : memref<40000x128xf32, #tpu.memory_space<hbm>> -> memref<624x128xf32, #tpu.memory_space<hbm>>
      %dma_start3A_52 = arith.constant 0 : i32
      %dma_start3A_53 = tpu.memref_slice %arg8[%mul3A_15, %dma_start3A_52] : memref<10112x128xf32, #tpu.memory_space<vmem_shared>> -> memref<624x128xf32, #tpu.memory_space<vmem_shared>>
      tpu.enqueue_dma source(%dma_start3A_53 : memref<624x128xf32, #tpu.memory_space<vmem_shared>>) target(%dma_start3A_51 : memref<624x128xf32, #tpu.memory_space<hbm>>) target_semaphore(%run_scoped3A : memref<!tpu.dma_semaphore, #tpu.memory_space<semaphore_mem>>)
      %dma_wait3A = arith.constant 0 : i32
      %dma_wait3A_54 = tpu.memref_slice %arg7[%add3A_18, %dma_wait3A] : memref<40000x128xf32, #tpu.memory_space<hbm>> -> memref<624x128xf32, #tpu.memory_space<hbm>>
      %dma_wait3A_55 = arith.constant 0 : i32
      %dma_wait3A_56 = tpu.memref_slice %arg8[%mul3A_15, %dma_wait3A_55] : memref<10112x128xf32, #tpu.memory_space<vmem_shared>> -> memref<624x128xf32, #tpu.memory_space<vmem_shared>>
      tpu.wait_dma2 semaphore(%run_scoped3A : memref<!tpu.dma_semaphore, #tpu.memory_space<semaphore_mem>>) src(%dma_wait3A_56 : memref<624x128xf32, #tpu.memory_space<vmem_shared>>) dst(%dma_wait3A_54 : memref<624x128xf32, #tpu.memory_space<hbm>>)
      tpu.yield
    }) : () -> ()
    %eq3A = arith.constant 0 : i32
    %eq3A_19 = arith.cmpi eq, %arg1, %eq3A : i32
    %convert_element_type3A = arith.extui %eq3A_19 : i1 to i32
    %cond3A = arith.constant 0 : i32
    %cond3A_20 = arith.cmpi ne, %convert_element_type3A, %cond3A : i32
    scf.if %cond3A_20 {
      %add3A_51 = arith.constant 9984 : i32
      %add3A_52 = arith.addi %mul3A_3, %add3A_51 : i32
      "tpu.region"() ({
        %run_scoped3A = tpu.sem_alloc : memref<!tpu.dma_semaphore, #tpu.memory_space<semaphore_mem>>
        %dma_start3A = arith.constant 0 : i32
        %dma_start3A_53 = tpu.memref_slice %arg7[%add3A_52, %dma_start3A] : memref<40000x128xf32, #tpu.memory_space<hbm>> -> memref<16x128xf32, #tpu.memory_space<hbm>>
        %dma_start3A_54 = arith.constant 9984 : i32
        %dma_start3A_55 = arith.constant 0 : i32
        %dma_start3A_56 = tpu.memref_slice %arg8[%dma_start3A_54, %dma_start3A_55] : memref<10112x128xf32, #tpu.memory_space<vmem_shared>> -> memref<16x128xf32, #tpu.memory_space<vmem_shared>>
        tpu.enqueue_dma source(%dma_start3A_56 : memref<16x128xf32, #tpu.memory_space<vmem_shared>>) target(%dma_start3A_53 : memref<16x128xf32, #tpu.memory_space<hbm>>) target_semaphore(%run_scoped3A : memref<!tpu.dma_semaphore, #tpu.memory_space<semaphore_mem>>)
        %dma_wait3A = arith.constant 0 : i32
        %dma_wait3A_57 = tpu.memref_slice %arg7[%add3A_52, %dma_wait3A] : memref<40000x128xf32, #tpu.memory_space<hbm>> -> memref<16x128xf32, #tpu.memory_space<hbm>>
        %dma_wait3A_58 = arith.constant 9984 : i32
        %dma_wait3A_59 = arith.constant 0 : i32
        %dma_wait3A_60 = tpu.memref_slice %arg8[%dma_wait3A_58, %dma_wait3A_59] : memref<10112x128xf32, #tpu.memory_space<vmem_shared>> -> memref<16x128xf32, #tpu.memory_space<vmem_shared>>
        tpu.wait_dma2 semaphore(%run_scoped3A : memref<!tpu.dma_semaphore, #tpu.memory_space<semaphore_mem>>) src(%dma_wait3A_60 : memref<16x128xf32, #tpu.memory_space<vmem_shared>>) dst(%dma_wait3A_57 : memref<16x128xf32, #tpu.memory_space<hbm>>)
        tpu.yield
      }) : () -> ()
    } else {
    }
    %barrier3A_21 = arith.constant 0 : index
    tpu.barrier barrier_id(%barrier3A_21)
    %mul3A_22 = arith.constant 2 : i32
    %mul3A_23 = arith.muli %mul3A_22, %arg0 : i32
    %add3A_24 = arith.constant 1 : i32
    %add3A_25 = arith.addi %mul3A_23, %add3A_24 : i32
    %mul3A_26 = arith.constant 10000 : i32
    %mul3A_27 = arith.muli %add3A_25, %mul3A_26 : i32
    %mul3A_28 = arith.constant 632 : i32
    %mul3A_29 = arith.muli %arg1, %mul3A_28 : i32
    %mul3A_30 = arith.constant 632 : i32
    %mul3A_31 = arith.muli %arg1, %mul3A_30 : i32
    "tpu.region"() ({
      %run_scoped3A = tpu.sem_alloc : memref<!tpu.dma_semaphore, #tpu.memory_space<semaphore_mem>>
      %dma_start3A = arith.constant 0 : i32
      %dma_start3A_51 = tpu.memref_slice %arg8[%mul3A_31, %dma_start3A] : memref<10112x128xf32, #tpu.memory_space<vmem_shared>> -> memref<632x128xf32, #tpu.memory_space<vmem_shared>>
      %dma_start3A_52 = arith.constant 0 : i32
      %dma_start3A_53 = tpu.memref_slice %arg6[%mul3A_29, %dma_start3A_52] : memref<10112x128xf32, #tpu.memory_space<hbm>> -> memref<632x128xf32, #tpu.memory_space<hbm>>
      tpu.enqueue_dma source(%dma_start3A_53 : memref<632x128xf32, #tpu.memory_space<hbm>>) target(%dma_start3A_51 : memref<632x128xf32, #tpu.memory_space<vmem_shared>>) target_semaphore(%run_scoped3A : memref<!tpu.dma_semaphore, #tpu.memory_space<semaphore_mem>>)
      %dma_wait3A = arith.constant 0 : i32
      %dma_wait3A_54 = tpu.memref_slice %arg8[%mul3A_31, %dma_wait3A] : memref<10112x128xf32, #tpu.memory_space<vmem_shared>> -> memref<632x128xf32, #tpu.memory_space<vmem_shared>>
      %dma_wait3A_55 = arith.constant 0 : i32
      %dma_wait3A_56 = tpu.memref_slice %arg6[%mul3A_29, %dma_wait3A_55] : memref<10112x128xf32, #tpu.memory_space<hbm>> -> memref<632x128xf32, #tpu.memory_space<hbm>>
      tpu.wait_dma2 semaphore(%run_scoped3A : memref<!tpu.dma_semaphore, #tpu.memory_space<semaphore_mem>>) src(%dma_wait3A_56 : memref<632x128xf32, #tpu.memory_space<hbm>>) dst(%dma_wait3A_54 : memref<632x128xf32, #tpu.memory_space<vmem_shared>>)
      tpu.yield
    }) : () -> ()
    %barrier3A_32 = arith.constant 0 : index
    tpu.barrier barrier_id(%barrier3A_32)
    %scan3A_33 = arith.constant 0 : i32
    %scan3A_34 = arith.constant 0 : i32
    %scan3A_35 = arith.constant 245 : i32
    %scan3A_36 = arith.addi %scan3A_34, %scan3A_35 : i32
    %scan3A_37 = arith.constant 1 : i32
    scf.for %scan3A_51 = %scan3A_34 to %scan3A_36 step %scan3A_37  : i32 {
      %mul3A_52 = arith.constant 31360 : i32
      %mul3A_53 = arith.muli %arg1, %mul3A_52 : i32
      %mul3A_54 = arith.constant 128 : i32
      %mul3A_55 = arith.muli %scan3A_51, %mul3A_54 : i32
      %add3A_56 = arith.addi %mul3A_53, %mul3A_55 : i32
      %dma_start3A = tpu.memref_slice %arg3[%add3A_56] : memref<501760xi32, #tpu.memory_space<hbm>> -> memref<128xi32, #tpu.memory_space<hbm>>
      %dma_start3A_57 = tpu.memref_slice %arg3[%add3A_56] : memref<501760xi32, #tpu.memory_space<hbm>> -> memref<128xi32, #tpu.memory_space<hbm>>
      tpu.enqueue_dma source(%dma_start3A_57 : memref<128xi32, #tpu.memory_space<hbm>>) target(%arg9 : memref<128xi32, #tpu.memory_space<vmem>>) target_semaphore(%arg18 : memref<!tpu.dma_semaphore, #tpu.memory_space<semaphore_mem>>)
      %dma_start3A_58 = tpu.memref_slice %arg4[%add3A_56] : memref<501760xi32, #tpu.memory_space<hbm>> -> memref<128xi32, #tpu.memory_space<hbm>>
      %dma_start3A_59 = tpu.memref_slice %arg4[%add3A_56] : memref<501760xi32, #tpu.memory_space<hbm>> -> memref<128xi32, #tpu.memory_space<hbm>>
      tpu.enqueue_dma source(%dma_start3A_59 : memref<128xi32, #tpu.memory_space<hbm>>) target(%arg10 : memref<128xi32, #tpu.memory_space<vmem>>) target_semaphore(%arg18 : memref<!tpu.dma_semaphore, #tpu.memory_space<semaphore_mem>>)
      %dma_start3A_60 = tpu.memref_slice %arg5[%add3A_56] : memref<501760xi32, #tpu.memory_space<hbm>> -> memref<128xi32, #tpu.memory_space<hbm>>
      %dma_start3A_61 = tpu.memref_slice %arg5[%add3A_56] : memref<501760xi32, #tpu.memory_space<hbm>> -> memref<128xi32, #tpu.memory_space<hbm>>
      tpu.enqueue_dma source(%dma_start3A_61 : memref<128xi32, #tpu.memory_space<hbm>>) target(%arg11 : memref<128xi32, #tpu.memory_space<vmem>>) target_semaphore(%arg18 : memref<!tpu.dma_semaphore, #tpu.memory_space<semaphore_mem>>)
      %dma_wait3A = tpu.memref_slice %arg3[%add3A_56] : memref<501760xi32, #tpu.memory_space<hbm>> -> memref<128xi32, #tpu.memory_space<hbm>>
      %dma_wait3A_62 = tpu.memref_slice %arg3[%add3A_56] : memref<501760xi32, #tpu.memory_space<hbm>> -> memref<128xi32, #tpu.memory_space<hbm>>
      tpu.wait_dma2 semaphore(%arg18 : memref<!tpu.dma_semaphore, #tpu.memory_space<semaphore_mem>>) src(%dma_wait3A_62 : memref<128xi32, #tpu.memory_space<hbm>>) dst(%arg9 : memref<128xi32, #tpu.memory_space<vmem>>)
      %dma_wait3A_63 = tpu.memref_slice %arg4[%add3A_56] : memref<501760xi32, #tpu.memory_space<hbm>> -> memref<128xi32, #tpu.memory_space<hbm>>
      %dma_wait3A_64 = tpu.memref_slice %arg4[%add3A_56] : memref<501760xi32, #tpu.memory_space<hbm>> -> memref<128xi32, #tpu.memory_space<hbm>>
      tpu.wait_dma2 semaphore(%arg18 : memref<!tpu.dma_semaphore, #tpu.memory_space<semaphore_mem>>) src(%dma_wait3A_64 : memref<128xi32, #tpu.memory_space<hbm>>) dst(%arg10 : memref<128xi32, #tpu.memory_space<vmem>>)
      %dma_wait3A_65 = tpu.memref_slice %arg5[%add3A_56] : memref<501760xi32, #tpu.memory_space<hbm>> -> memref<128xi32, #tpu.memory_space<hbm>>
      %dma_wait3A_66 = tpu.memref_slice %arg5[%add3A_56] : memref<501760xi32, #tpu.memory_space<hbm>> -> memref<128xi32, #tpu.memory_space<hbm>>
      tpu.wait_dma2 semaphore(%arg18 : memref<!tpu.dma_semaphore, #tpu.memory_space<semaphore_mem>>) src(%dma_wait3A_66 : memref<128xi32, #tpu.memory_space<hbm>>) dst(%arg11 : memref<128xi32, #tpu.memory_space<vmem>>)
      %get3A = arith.constant 0 : index
      %get3A_67 = tpu.vector_load %arg9[%get3A] {strides = array<i32>} : memref<128xi32, #tpu.memory_space<vmem>>, vector<16xi32>,
      %get3A_68 = vector.shape_cast %get3A_67 : vector<16xi32> to vector<16xi32>
      %mul3A_69 = arith.constant 10000 : i32
      %mul3A_70 = vector.broadcast %mul3A_69 : i32 to vector<16xi32>
      %mul3A_71 = arith.muli %get3A_68, %mul3A_70 : vector<16xi32>
      %get3A_72 = arith.constant 0 : index
      %get3A_73 = tpu.vector_load %arg10[%get3A_72] {strides = array<i32>} : memref<128xi32, #tpu.memory_space<vmem>>, vector<16xi32>,
      %get3A_74 = vector.shape_cast %get3A_73 : vector<16xi32> to vector<16xi32>
      %add3A_75 = arith.addi %mul3A_71, %get3A_74 : vector<16xi32>
      %mul3A_76 = arith.constant 10000 : i32
      %mul3A_77 = vector.broadcast %mul3A_76 : i32 to vector<16xi32>
      %mul3A_78 = arith.muli %get3A_68, %mul3A_77 : vector<16xi32>
      %get3A_79 = arith.constant 0 : index
      %get3A_80 = tpu.vector_load %arg11[%get3A_79] {strides = array<i32>} : memref<128xi32, #tpu.memory_space<vmem>>, vector<16xi32>,
      %get3A_81 = vector.shape_cast %get3A_80 : vector<16xi32> to vector<16xi32>
      %add3A_82 = arith.addi %mul3A_78, %get3A_81 : vector<16xi32>
      %max3A = arith.constant 0 : i32
      %max3A_83 = vector.broadcast %max3A : i32 to vector<16xi32>
      %max3A_84 = arith.maxsi %add3A_75, %max3A_83 : vector<16xi32>
      %swap3A = arith.constant 0 : index
      %swap3A_85 = tpu.vector_load %arg12[%swap3A] {strides = array<i32>} : memref<128xi32, #tpu.memory_space<vmem>>, vector<16xi32>,
      %swap3A_86 = vector.shape_cast %swap3A_85 : vector<16xi32> to vector<16xi32>
      %swap3A_87 = vector.shape_cast %max3A_84 : vector<16xi32> to vector<16xi32>
      tpu.vector_store %arg12[%swap3A], %swap3A_87 {strides = array<i32>} : memref<128xi32, #tpu.memory_space<vmem>>, vector<16xi32>,
      %max3A_88 = arith.constant 0 : i32
      %max3A_89 = vector.broadcast %max3A_88 : i32 to vector<16xi32>
      %max3A_90 = arith.maxsi %add3A_82, %max3A_89 : vector<16xi32>
      %swap3A_91 = arith.constant 0 : index
      %swap3A_92 = tpu.vector_load %arg13[%swap3A_91] {strides = array<i32>} : memref<128xi32, #tpu.memory_space<vmem>>, vector<16xi32>,
      %swap3A_93 = vector.shape_cast %swap3A_92 : vector<16xi32> to vector<16xi32>
      %swap3A_94 = vector.shape_cast %max3A_90 : vector<16xi32> to vector<16xi32>
      tpu.vector_store %arg13[%swap3A_91], %swap3A_94 {strides = array<i32>} : memref<128xi32, #tpu.memory_space<vmem>>, vector<16xi32>,
      %sub3A = vector.broadcast %mul3A_27 : i32 to vector<16xi32>
      %sub3A_95 = arith.subi %add3A_82, %sub3A : vector<16xi32>
      %lt3A = arith.constant 0 : i32
      %lt3A_96 = vector.broadcast %lt3A : i32 to vector<16xi32>
      %lt3A_97 = arith.cmpi slt, %sub3A_95, %lt3A_96 : vector<16xi32>
      %ge3A = arith.constant 10000 : i32
      %ge3A_98 = vector.broadcast %ge3A : i32 to vector<16xi32>
      %ge3A_99 = arith.cmpi sge, %sub3A_95, %ge3A_98 : vector<16xi32>
      %or3A = arith.ori %lt3A_97, %ge3A_99 : vector<16xi1>
      %jit3A = arith.constant 10000 : i32
      %broadcast_in_dim3A = vector.broadcast %jit3A : i32 to vector<16xi32>
      %select_n3A = arith.select %or3A, %broadcast_in_dim3A, %sub3A_95 : vector<16xi1>, vector<16xi32>
      %swap3A_100 = arith.constant 0 : index
      %swap3A_101 = tpu.vector_load %arg14[%swap3A_100] {strides = array<i32>} : memref<128xi32, #tpu.memory_space<vmem>>, vector<16xi32>,
      %swap3A_102 = vector.shape_cast %swap3A_101 : vector<16xi32> to vector<16xi32>
      %swap3A_103 = vector.shape_cast %select_n3A : vector<16xi32> to vector<16xi32>
      tpu.vector_store %arg14[%swap3A_100], %swap3A_103 {strides = array<i32>} : memref<128xi32, #tpu.memory_space<vmem>>, vector<16xi32>,
      %sub3A_104 = vector.broadcast %mul3A_27 : i32 to vector<16xi32>
      %sub3A_105 = arith.subi %add3A_75, %sub3A_104 : vector<16xi32>
      %lt3A_106 = arith.constant 0 : i32
      %lt3A_107 = vector.broadcast %lt3A_106 : i32 to vector<16xi32>
      %lt3A_108 = arith.cmpi slt, %sub3A_105, %lt3A_107 : vector<16xi32>
      %ge3A_109 = arith.constant 10000 : i32
      %ge3A_110 = vector.broadcast %ge3A_109 : i32 to vector<16xi32>
      %ge3A_111 = arith.cmpi sge, %sub3A_105, %ge3A_110 : vector<16xi32>
      %or3A_112 = arith.ori %lt3A_108, %ge3A_111 : vector<16xi1>
      %jit3A_113 = arith.constant 10000 : i32
      %broadcast_in_dim3A_114 = vector.broadcast %jit3A_113 : i32 to vector<16xi32>
      %select_n3A_115 = arith.select %or3A_112, %broadcast_in_dim3A_114, %sub3A_105 : vector<16xi1>, vector<16xi32>
      %swap3A_116 = arith.constant 0 : index
      %swap3A_117 = tpu.vector_load %arg15[%swap3A_116] {strides = array<i32>} : memref<128xi32, #tpu.memory_space<vmem>>, vector<16xi32>,
      %swap3A_118 = vector.shape_cast %swap3A_117 : vector<16xi32> to vector<16xi32>
      %swap3A_119 = vector.shape_cast %select_n3A_115 : vector<16xi32> to vector<16xi32>
      tpu.vector_store %arg15[%swap3A_116], %swap3A_119 {strides = array<i32>} : memref<128xi32, #tpu.memory_space<vmem>>, vector<16xi32>,
      %get3A_120 = arith.constant 16 : index
      %get3A_121 = tpu.vector_load %arg9[%get3A_120] {strides = array<i32>} : memref<128xi32, #tpu.memory_space<vmem>>, vector<16xi32>,
      %get3A_122 = vector.shape_cast %get3A_121 : vector<16xi32> to vector<16xi32>
      %mul3A_123 = arith.constant 10000 : i32
      %mul3A_124 = vector.broadcast %mul3A_123 : i32 to vector<16xi32>
      %mul3A_125 = arith.muli %get3A_122, %mul3A_124 : vector<16xi32>
      %get3A_126 = arith.constant 16 : index
      %get3A_127 = tpu.vector_load %arg10[%get3A_126] {strides = array<i32>} : memref<128xi32, #tpu.memory_space<vmem>>, vector<16xi32>,
      %get3A_128 = vector.shape_cast %get3A_127 : vector<16xi32> to vector<16xi32>
      %add3A_129 = arith.addi %mul3A_125, %get3A_128 : vector<16xi32>
      %mul3A_130 = arith.constant 10000 : i32
      %mul3A_131 = vector.broadcast %mul3A_130 : i32 to vector<16xi32>
      %mul3A_132 = arith.muli %get3A_122, %mul3A_131 : vector<16xi32>
      %get3A_133 = arith.constant 16 : index
      %get3A_134 = tpu.vector_load %arg11[%get3A_133] {strides = array<i32>} : memref<128xi32, #tpu.memory_space<vmem>>, vector<16xi32>,
      %get3A_135 = vector.shape_cast %get3A_134 : vector<16xi32> to vector<16xi32>
      %add3A_136 = arith.addi %mul3A_132, %get3A_135 : vector<16xi32>
      %max3A_137 = arith.constant 0 : i32
      %max3A_138 = vector.broadcast %max3A_137 : i32 to vector<16xi32>
      %max3A_139 = arith.maxsi %add3A_129, %max3A_138 : vector<16xi32>
      %swap3A_140 = arith.constant 16 : index
      %swap3A_141 = tpu.vector_load %arg12[%swap3A_140] {strides = array<i32>} : memref<128xi32, #tpu.memory_space<vmem>>, vector<16xi32>,
      %swap3A_142 = vector.shape_cast %swap3A_141 : vector<16xi32> to vector<16xi32>
      %swap3A_143 = vector.shape_cast %max3A_139 : vector<16xi32> to vector<16xi32>
      tpu.vector_store %arg12[%swap3A_140], %swap3A_143 {strides = array<i32>} : memref<128xi32, #tpu.memory_space<vmem>>, vector<16xi32>,
      %max3A_144 = arith.constant 0 : i32
      %max3A_145 = vector.broadcast %max3A_144 : i32 to vector<16xi32>
      %max3A_146 = arith.maxsi %add3A_136, %max3A_145 : vector<16xi32>
      %swap3A_147 = arith.constant 16 : index
      %swap3A_148 = tpu.vector_load %arg13[%swap3A_147] {strides = array<i32>} : memref<128xi32, #tpu.memory_space<vmem>>, vector<16xi32>,
      %swap3A_149 = vector.shape_cast %swap3A_148 : vector<16xi32> to vector<16xi32>
      %swap3A_150 = vector.shape_cast %max3A_146 : vector<16xi32> to vector<16xi32>
      tpu.vector_store %arg13[%swap3A_147], %swap3A_150 {strides = array<i32>} : memref<128xi32, #tpu.memory_space<vmem>>, vector<16xi32>,
      %sub3A_151 = vector.broadcast %mul3A_27 : i32 to vector<16xi32>
      %sub3A_152 = arith.subi %add3A_136, %sub3A_151 : vector<16xi32>
      %lt3A_153 = arith.constant 0 : i32
      %lt3A_154 = vector.broadcast %lt3A_153 : i32 to vector<16xi32>
      %lt3A_155 = arith.cmpi slt, %sub3A_152, %lt3A_154 : vector<16xi32>
      %ge3A_156 = arith.constant 10000 : i32
      %ge3A_157 = vector.broadcast %ge3A_156 : i32 to vector<16xi32>
      %ge3A_158 = arith.cmpi sge, %sub3A_152, %ge3A_157 : vector<16xi32>
      %or3A_159 = arith.ori %lt3A_155, %ge3A_158 : vector<16xi1>
      %jit3A_160 = arith.constant 10000 : i32
      %broadcast_in_dim3A_161 = vector.broadcast %jit3A_160 : i32 to vector<16xi32>
      %select_n3A_162 = arith.select %or3A_159, %broadcast_in_dim3A_161, %sub3A_152 : vector<16xi1>, vector<16xi32>
      %swap3A_163 = arith.constant 16 : index
      %swap3A_164 = tpu.vector_load %arg14[%swap3A_163] {strides = array<i32>} : memref<128xi32, #tpu.memory_space<vmem>>, vector<16xi32>,
      %swap3A_165 = vector.shape_cast %swap3A_164 : vector<16xi32> to vector<16xi32>
      %swap3A_166 = vector.shape_cast %select_n3A_162 : vector<16xi32> to vector<16xi32>
      tpu.vector_store %arg14[%swap3A_163], %swap3A_166 {strides = array<i32>} : memref<128xi32, #tpu.memory_space<vmem>>, vector<16xi32>,
      %sub3A_167 = vector.broadcast %mul3A_27 : i32 to vector<16xi32>
      %sub3A_168 = arith.subi %add3A_129, %sub3A_167 : vector<16xi32>
      %lt3A_169 = arith.constant 0 : i32
      %lt3A_170 = vector.broadcast %lt3A_169 : i32 to vector<16xi32>
      %lt3A_171 = arith.cmpi slt, %sub3A_168, %lt3A_170 : vector<16xi32>
      %ge3A_172 = arith.constant 10000 : i32
      %ge3A_173 = vector.broadcast %ge3A_172 : i32 to vector<16xi32>
      %ge3A_174 = arith.cmpi sge, %sub3A_168, %ge3A_173 : vector<16xi32>
      %or3A_175 = arith.ori %lt3A_171, %ge3A_174 : vector<16xi1>
      %jit3A_176 = arith.constant 10000 : i32
      %broadcast_in_dim3A_177 = vector.broadcast %jit3A_176 : i32 to vector<16xi32>
      %select_n3A_178 = arith.select %or3A_175, %broadcast_in_dim3A_177, %sub3A_168 : vector<16xi1>, vector<16xi32>
      %swap3A_179 = arith.constant 16 : index
      %swap3A_180 = tpu.vector_load %arg15[%swap3A_179] {strides = array<i32>} : memref<128xi32, #tpu.memory_space<vmem>>, vector<16xi32>,
      %swap3A_181 = vector.shape_cast %swap3A_180 : vector<16xi32> to vector<16xi32>
      %swap3A_182 = vector.shape_cast %select_n3A_178 : vector<16xi32> to vector<16xi32>
      tpu.vector_store %arg15[%swap3A_179], %swap3A_182 {strides = array<i32>} : memref<128xi32, #tpu.memory_space<vmem>>, vector<16xi32>,
      %get3A_183 = arith.constant 32 : index
      %get3A_184 = tpu.vector_load %arg9[%get3A_183] {strides = array<i32>} : memref<128xi32, #tpu.memory_space<vmem>>, vector<16xi32>,
      %get3A_185 = vector.shape_cast %get3A_184 : vector<16xi32> to vector<16xi32>
      %mul3A_186 = arith.constant 10000 : i32
      %mul3A_187 = vector.broadcast %mul3A_186 : i32 to vector<16xi32>
      %mul3A_188 = arith.muli %get3A_185, %mul3A_187 : vector<16xi32>
      %get3A_189 = arith.constant 32 : index
      %get3A_190 = tpu.vector_load %arg10[%get3A_189] {strides = array<i32>} : memref<128xi32, #tpu.memory_space<vmem>>, vector<16xi32>,
      %get3A_191 = vector.shape_cast %get3A_190 : vector<16xi32> to vector<16xi32>
      %add3A_192 = arith.addi %mul3A_188, %get3A_191 : vector<16xi32>
      %mul3A_193 = arith.constant 10000 : i32
      %mul3A_194 = vector.broadcast %mul3A_193 : i32 to vector<16xi32>
      %mul3A_195 = arith.muli %get3A_185, %mul3A_194 : vector<16xi32>
      %get3A_196 = arith.constant 32 : index
      %get3A_197 = tpu.vector_load %arg11[%get3A_196] {strides = array<i32>} : memref<128xi32, #tpu.memory_space<vmem>>, vector<16xi32>,
      %get3A_198 = vector.shape_cast %get3A_197 : vector<16xi32> to vector<16xi32>
      %add3A_199 = arith.addi %mul3A_195, %get3A_198 : vector<16xi32>
      %max3A_200 = arith.constant 0 : i32
      %max3A_201 = vector.broadcast %max3A_200 : i32 to vector<16xi32>
      %max3A_202 = arith.maxsi %add3A_192, %max3A_201 : vector<16xi32>
      %swap3A_203 = arith.constant 32 : index
      %swap3A_204 = tpu.vector_load %arg12[%swap3A_203] {strides = array<i32>} : memref<128xi32, #tpu.memory_space<vmem>>, vector<16xi32>,
      %swap3A_205 = vector.shape_cast %swap3A_204 : vector<16xi32> to vector<16xi32>
      %swap3A_206 = vector.shape_cast %max3A_202 : vector<16xi32> to vector<16xi32>
      tpu.vector_store %arg12[%swap3A_203], %swap3A_206 {strides = array<i32>} : memref<128xi32, #tpu.memory_space<vmem>>, vector<16xi32>,
      %max3A_207 = arith.constant 0 : i32
      %max3A_208 = vector.broadcast %max3A_207 : i32 to vector<16xi32>
      %max3A_209 = arith.maxsi %add3A_199, %max3A_208 : vector<16xi32>
      %swap3A_210 = arith.constant 32 : index
      %swap3A_211 = tpu.vector_load %arg13[%swap3A_210] {strides = array<i32>} : memref<128xi32, #tpu.memory_space<vmem>>, vector<16xi32>,
      %swap3A_212 = vector.shape_cast %swap3A_211 : vector<16xi32> to vector<16xi32>
      %swap3A_213 = vector.shape_cast %max3A_209 : vector<16xi32> to vector<16xi32>
      tpu.vector_store %arg13[%swap3A_210], %swap3A_213 {strides = array<i32>} : memref<128xi32, #tpu.memory_space<vmem>>, vector<16xi32>,
      %sub3A_214 = vector.broadcast %mul3A_27 : i32 to vector<16xi32>
      %sub3A_215 = arith.subi %add3A_199, %sub3A_214 : vector<16xi32>
      %lt3A_216 = arith.constant 0 : i32
      %lt3A_217 = vector.broadcast %lt3A_216 : i32 to vector<16xi32>
      %lt3A_218 = arith.cmpi slt, %sub3A_215, %lt3A_217 : vector<16xi32>
      %ge3A_219 = arith.constant 10000 : i32
      %ge3A_220 = vector.broadcast %ge3A_219 : i32 to vector<16xi32>
      %ge3A_221 = arith.cmpi sge, %sub3A_215, %ge3A_220 : vector<16xi32>
      %or3A_222 = arith.ori %lt3A_218, %ge3A_221 : vector<16xi1>
      %jit3A_223 = arith.constant 10000 : i32
      %broadcast_in_dim3A_224 = vector.broadcast %jit3A_223 : i32 to vector<16xi32>
      %select_n3A_225 = arith.select %or3A_222, %broadcast_in_dim3A_224, %sub3A_215 : vector<16xi1>, vector<16xi32>
      %swap3A_226 = arith.constant 32 : index
      %swap3A_227 = tpu.vector_load %arg14[%swap3A_226] {strides = array<i32>} : memref<128xi32, #tpu.memory_space<vmem>>, vector<16xi32>,
      %swap3A_228 = vector.shape_cast %swap3A_227 : vector<16xi32> to vector<16xi32>
      %swap3A_229 = vector.shape_cast %select_n3A_225 : vector<16xi32> to vector<16xi32>
      tpu.vector_store %arg14[%swap3A_226], %swap3A_229 {strides = array<i32>} : memref<128xi32, #tpu.memory_space<vmem>>, vector<16xi32>,
      %sub3A_230 = vector.broadcast %mul3A_27 : i32 to vector<16xi32>
      %sub3A_231 = arith.subi %add3A_192, %sub3A_230 : vector<16xi32>
      %lt3A_232 = arith.constant 0 : i32
      %lt3A_233 = vector.broadcast %lt3A_232 : i32 to vector<16xi32>
      %lt3A_234 = arith.cmpi slt, %sub3A_231, %lt3A_233 : vector<16xi32>
      %ge3A_235 = arith.constant 10000 : i32
      %ge3A_236 = vector.broadcast %ge3A_235 : i32 to vector<16xi32>
      %ge3A_237 = arith.cmpi sge, %sub3A_231, %ge3A_236 : vector<16xi32>
      %or3A_238 = arith.ori %lt3A_234, %ge3A_237 : vector<16xi1>
      %jit3A_239 = arith.constant 10000 : i32
      %broadcast_in_dim3A_240 = vector.broadcast %jit3A_239 : i32 to vector<16xi32>
      %select_n3A_241 = arith.select %or3A_238, %broadcast_in_dim3A_240, %sub3A_231 : vector<16xi1>, vector<16xi32>
      %swap3A_242 = arith.constant 32 : index
      %swap3A_243 = tpu.vector_load %arg15[%swap3A_242] {strides = array<i32>} : memref<128xi32, #tpu.memory_space<vmem>>, vector<16xi32>,
      %swap3A_244 = vector.shape_cast %swap3A_243 : vector<16xi32> to vector<16xi32>
      %swap3A_245 = vector.shape_cast %select_n3A_241 : vector<16xi32> to vector<16xi32>
      tpu.vector_store %arg15[%swap3A_242], %swap3A_245 {strides = array<i32>} : memref<128xi32, #tpu.memory_space<vmem>>, vector<16xi32>,
      %get3A_246 = arith.constant 48 : index
      %get3A_247 = tpu.vector_load %arg9[%get3A_246] {strides = array<i32>} : memref<128xi32, #tpu.memory_space<vmem>>, vector<16xi32>,
      %get3A_248 = vector.shape_cast %get3A_247 : vector<16xi32> to vector<16xi32>
      %mul3A_249 = arith.constant 10000 : i32
      %mul3A_250 = vector.broadcast %mul3A_249 : i32 to vector<16xi32>
      %mul3A_251 = arith.muli %get3A_248, %mul3A_250 : vector<16xi32>
      %get3A_252 = arith.constant 48 : index
      %get3A_253 = tpu.vector_load %arg10[%get3A_252] {strides = array<i32>} : memref<128xi32, #tpu.memory_space<vmem>>, vector<16xi32>,
      %get3A_254 = vector.shape_cast %get3A_253 : vector<16xi32> to vector<16xi32>
      %add3A_255 = arith.addi %mul3A_251, %get3A_254 : vector<16xi32>
      %mul3A_256 = arith.constant 10000 : i32
      %mul3A_257 = vector.broadcast %mul3A_256 : i32 to vector<16xi32>
      %mul3A_258 = arith.muli %get3A_248, %mul3A_257 : vector<16xi32>
      %get3A_259 = arith.constant 48 : index
      %get3A_260 = tpu.vector_load %arg11[%get3A_259] {strides = array<i32>} : memref<128xi32, #tpu.memory_space<vmem>>, vector<16xi32>,
      %get3A_261 = vector.shape_cast %get3A_260 : vector<16xi32> to vector<16xi32>
      %add3A_262 = arith.addi %mul3A_258, %get3A_261 : vector<16xi32>
      %max3A_263 = arith.constant 0 : i32
      %max3A_264 = vector.broadcast %max3A_263 : i32 to vector<16xi32>
      %max3A_265 = arith.maxsi %add3A_255, %max3A_264 : vector<16xi32>
      %swap3A_266 = arith.constant 48 : index
      %swap3A_267 = tpu.vector_load %arg12[%swap3A_266] {strides = array<i32>} : memref<128xi32, #tpu.memory_space<vmem>>, vector<16xi32>,
      %swap3A_268 = vector.shape_cast %swap3A_267 : vector<16xi32> to vector<16xi32>
      %swap3A_269 = vector.shape_cast %max3A_265 : vector<16xi32> to vector<16xi32>
      tpu.vector_store %arg12[%swap3A_266], %swap3A_269 {strides = array<i32>} : memref<128xi32, #tpu.memory_space<vmem>>, vector<16xi32>,
      %max3A_270 = arith.constant 0 : i32
      %max3A_271 = vector.broadcast %max3A_270 : i32 to vector<16xi32>
      %max3A_272 = arith.maxsi %add3A_262, %max3A_271 : vector<16xi32>
      %swap3A_273 = arith.constant 48 : index
      %swap3A_274 = tpu.vector_load %arg13[%swap3A_273] {strides = array<i32>} : memref<128xi32, #tpu.memory_space<vmem>>, vector<16xi32>,
      %swap3A_275 = vector.shape_cast %swap3A_274 : vector<16xi32> to vector<16xi32>
      %swap3A_276 = vector.shape_cast %max3A_272 : vector<16xi32> to vector<16xi32>
      tpu.vector_store %arg13[%swap3A_273], %swap3A_276 {strides = array<i32>} : memref<128xi32, #tpu.memory_space<vmem>>, vector<16xi32>,
      %sub3A_277 = vector.broadcast %mul3A_27 : i32 to vector<16xi32>
      %sub3A_278 = arith.subi %add3A_262, %sub3A_277 : vector<16xi32>
      %lt3A_279 = arith.constant 0 : i32
      %lt3A_280 = vector.broadcast %lt3A_279 : i32 to vector<16xi32>
      %lt3A_281 = arith.cmpi slt, %sub3A_278, %lt3A_280 : vector<16xi32>
      %ge3A_282 = arith.constant 10000 : i32
      %ge3A_283 = vector.broadcast %ge3A_282 : i32 to vector<16xi32>
      %ge3A_284 = arith.cmpi sge, %sub3A_278, %ge3A_283 : vector<16xi32>
      %or3A_285 = arith.ori %lt3A_281, %ge3A_284 : vector<16xi1>
      %jit3A_286 = arith.constant 10000 : i32
      %broadcast_in_dim3A_287 = vector.broadcast %jit3A_286 : i32 to vector<16xi32>
      %select_n3A_288 = arith.select %or3A_285, %broadcast_in_dim3A_287, %sub3A_278 : vector<16xi1>, vector<16xi32>
      %swap3A_289 = arith.constant 48 : index
      %swap3A_290 = tpu.vector_load %arg14[%swap3A_289] {strides = array<i32>} : memref<128xi32, #tpu.memory_space<vmem>>, vector<16xi32>,
      %swap3A_291 = vector.shape_cast %swap3A_290 : vector<16xi32> to vector<16xi32>
      %swap3A_292 = vector.shape_cast %select_n3A_288 : vector<16xi32> to vector<16xi32>
      tpu.vector_store %arg14[%swap3A_289], %swap3A_292 {strides = array<i32>} : memref<128xi32, #tpu.memory_space<vmem>>, vector<16xi32>,
      %sub3A_293 = vector.broadcast %mul3A_27 : i32 to vector<16xi32>
      %sub3A_294 = arith.subi %add3A_255, %sub3A_293 : vector<16xi32>
      %lt3A_295 = arith.constant 0 : i32
      %lt3A_296 = vector.broadcast %lt3A_295 : i32 to vector<16xi32>
      %lt3A_297 = arith.cmpi slt, %sub3A_294, %lt3A_296 : vector<16xi32>
      %ge3A_298 = arith.constant 10000 : i32
      %ge3A_299 = vector.broadcast %ge3A_298 : i32 to vector<16xi32>
      %ge3A_300 = arith.cmpi sge, %sub3A_294, %ge3A_299 : vector<16xi32>
      %or3A_301 = arith.ori %lt3A_297, %ge3A_300 : vector<16xi1>
      %jit3A_302 = arith.constant 10000 : i32
      %broadcast_in_dim3A_303 = vector.broadcast %jit3A_302 : i32 to vector<16xi32>
      %select_n3A_304 = arith.select %or3A_301, %broadcast_in_dim3A_303, %sub3A_294 : vector<16xi1>, vector<16xi32>
      %swap3A_305 = arith.constant 48 : index
      %swap3A_306 = tpu.vector_load %arg15[%swap3A_305] {strides = array<i32>} : memref<128xi32, #tpu.memory_space<vmem>>, vector<16xi32>,
      %swap3A_307 = vector.shape_cast %swap3A_306 : vector<16xi32> to vector<16xi32>
      %swap3A_308 = vector.shape_cast %select_n3A_304 : vector<16xi32> to vector<16xi32>
      tpu.vector_store %arg15[%swap3A_305], %swap3A_308 {strides = array<i32>} : memref<128xi32, #tpu.memory_space<vmem>>, vector<16xi32>,
      %get3A_309 = arith.constant 64 : index
      %get3A_310 = tpu.vector_load %arg9[%get3A_309] {strides = array<i32>} : memref<128xi32, #tpu.memory_space<vmem>>, vector<16xi32>,
      %get3A_311 = vector.shape_cast %get3A_310 : vector<16xi32> to vector<16xi32>
      %mul3A_312 = arith.constant 10000 : i32
      %mul3A_313 = vector.broadcast %mul3A_312 : i32 to vector<16xi32>
      %mul3A_314 = arith.muli %get3A_311, %mul3A_313 : vector<16xi32>
      %get3A_315 = arith.constant 64 : index
      %get3A_316 = tpu.vector_load %arg10[%get3A_315] {strides = array<i32>} : memref<128xi32, #tpu.memory_space<vmem>>, vector<16xi32>,
      %get3A_317 = vector.shape_cast %get3A_316 : vector<16xi32> to vector<16xi32>
      %add3A_318 = arith.addi %mul3A_314, %get3A_317 : vector<16xi32>
      %mul3A_319 = arith.constant 10000 : i32
      %mul3A_320 = vector.broadcast %mul3A_319 : i32 to vector<16xi32>
      %mul3A_321 = arith.muli %get3A_311, %mul3A_320 : vector<16xi32>
      %get3A_322 = arith.constant 64 : index
      %get3A_323 = tpu.vector_load %arg11[%get3A_322] {strides = array<i32>} : memref<128xi32, #tpu.memory_space<vmem>>, vector<16xi32>,
      %get3A_324 = vector.shape_cast %get3A_323 : vector<16xi32> to vector<16xi32>
      %add3A_325 = arith.addi %mul3A_321, %get3A_324 : vector<16xi32>
      %max3A_326 = arith.constant 0 : i32
      %max3A_327 = vector.broadcast %max3A_326 : i32 to vector<16xi32>
      %max3A_328 = arith.maxsi %add3A_318, %max3A_327 : vector<16xi32>
      %swap3A_329 = arith.constant 64 : index
      %swap3A_330 = tpu.vector_load %arg12[%swap3A_329] {strides = array<i32>} : memref<128xi32, #tpu.memory_space<vmem>>, vector<16xi32>,
      %swap3A_331 = vector.shape_cast %swap3A_330 : vector<16xi32> to vector<16xi32>
      %swap3A_332 = vector.shape_cast %max3A_328 : vector<16xi32> to vector<16xi32>
      tpu.vector_store %arg12[%swap3A_329], %swap3A_332 {strides = array<i32>} : memref<128xi32, #tpu.memory_space<vmem>>, vector<16xi32>,
      %max3A_333 = arith.constant 0 : i32
      %max3A_334 = vector.broadcast %max3A_333 : i32 to vector<16xi32>
      %max3A_335 = arith.maxsi %add3A_325, %max3A_334 : vector<16xi32>
      %swap3A_336 = arith.constant 64 : index
      %swap3A_337 = tpu.vector_load %arg13[%swap3A_336] {strides = array<i32>} : memref<128xi32, #tpu.memory_space<vmem>>, vector<16xi32>,
      %swap3A_338 = vector.shape_cast %swap3A_337 : vector<16xi32> to vector<16xi32>
      %swap3A_339 = vector.shape_cast %max3A_335 : vector<16xi32> to vector<16xi32>
      tpu.vector_store %arg13[%swap3A_336], %swap3A_339 {strides = array<i32>} : memref<128xi32, #tpu.memory_space<vmem>>, vector<16xi32>,
      %sub3A_340 = vector.broadcast %mul3A_27 : i32 to vector<16xi32>
      %sub3A_341 = arith.subi %add3A_325, %sub3A_340 : vector<16xi32>
      %lt3A_342 = arith.constant 0 : i32
      %lt3A_343 = vector.broadcast %lt3A_342 : i32 to vector<16xi32>
      %lt3A_344 = arith.cmpi slt, %sub3A_341, %lt3A_343 : vector<16xi32>
      %ge3A_345 = arith.constant 10000 : i32
      %ge3A_346 = vector.broadcast %ge3A_345 : i32 to vector<16xi32>
      %ge3A_347 = arith.cmpi sge, %sub3A_341, %ge3A_346 : vector<16xi32>
      %or3A_348 = arith.ori %lt3A_344, %ge3A_347 : vector<16xi1>
      %jit3A_349 = arith.constant 10000 : i32
      %broadcast_in_dim3A_350 = vector.broadcast %jit3A_349 : i32 to vector<16xi32>
      %select_n3A_351 = arith.select %or3A_348, %broadcast_in_dim3A_350, %sub3A_341 : vector<16xi1>, vector<16xi32>
      %swap3A_352 = arith.constant 64 : index
      %swap3A_353 = tpu.vector_load %arg14[%swap3A_352] {strides = array<i32>} : memref<128xi32, #tpu.memory_space<vmem>>, vector<16xi32>,
      %swap3A_354 = vector.shape_cast %swap3A_353 : vector<16xi32> to vector<16xi32>
      %swap3A_355 = vector.shape_cast %select_n3A_351 : vector<16xi32> to vector<16xi32>
      tpu.vector_store %arg14[%swap3A_352], %swap3A_355 {strides = array<i32>} : memref<128xi32, #tpu.memory_space<vmem>>, vector<16xi32>,
      %sub3A_356 = vector.broadcast %mul3A_27 : i32 to vector<16xi32>
      %sub3A_357 = arith.subi %add3A_318, %sub3A_356 : vector<16xi32>
      %lt3A_358 = arith.constant 0 : i32
      %lt3A_359 = vector.broadcast %lt3A_358 : i32 to vector<16xi32>
      %lt3A_360 = arith.cmpi slt, %sub3A_357, %lt3A_359 : vector<16xi32>
      %ge3A_361 = arith.constant 10000 : i32
      %ge3A_362 = vector.broadcast %ge3A_361 : i32 to vector<16xi32>
      %ge3A_363 = arith.cmpi sge, %sub3A_357, %ge3A_362 : vector<16xi32>
      %or3A_364 = arith.ori %lt3A_360, %ge3A_363 : vector<16xi1>
      %jit3A_365 = arith.constant 10000 : i32
      %broadcast_in_dim3A_366 = vector.broadcast %jit3A_365 : i32 to vector<16xi32>
      %select_n3A_367 = arith.select %or3A_364, %broadcast_in_dim3A_366, %sub3A_357 : vector<16xi1>, vector<16xi32>
      %swap3A_368 = arith.constant 64 : index
      %swap3A_369 = tpu.vector_load %arg15[%swap3A_368] {strides = array<i32>} : memref<128xi32, #tpu.memory_space<vmem>>, vector<16xi32>,
      %swap3A_370 = vector.shape_cast %swap3A_369 : vector<16xi32> to vector<16xi32>
      %swap3A_371 = vector.shape_cast %select_n3A_367 : vector<16xi32> to vector<16xi32>
      tpu.vector_store %arg15[%swap3A_368], %swap3A_371 {strides = array<i32>} : memref<128xi32, #tpu.memory_space<vmem>>, vector<16xi32>,
      %get3A_372 = arith.constant 80 : index
      %get3A_373 = tpu.vector_load %arg9[%get3A_372] {strides = array<i32>} : memref<128xi32, #tpu.memory_space<vmem>>, vector<16xi32>,
      %get3A_374 = vector.shape_cast %get3A_373 : vector<16xi32> to vector<16xi32>
      %mul3A_375 = arith.constant 10000 : i32
      %mul3A_376 = vector.broadcast %mul3A_375 : i32 to vector<16xi32>
      %mul3A_377 = arith.muli %get3A_374, %mul3A_376 : vector<16xi32>
      %get3A_378 = arith.constant 80 : index
      %get3A_379 = tpu.vector_load %arg10[%get3A_378] {strides = array<i32>} : memref<128xi32, #tpu.memory_space<vmem>>, vector<16xi32>,
      %get3A_380 = vector.shape_cast %get3A_379 : vector<16xi32> to vector<16xi32>
      %add3A_381 = arith.addi %mul3A_377, %get3A_380 : vector<16xi32>
      %mul3A_382 = arith.constant 10000 : i32
      %mul3A_383 = vector.broadcast %mul3A_382 : i32 to vector<16xi32>
      %mul3A_384 = arith.muli %get3A_374, %mul3A_383 : vector<16xi32>
      %get3A_385 = arith.constant 80 : index
      %get3A_386 = tpu.vector_load %arg11[%get3A_385] {strides = array<i32>} : memref<128xi32, #tpu.memory_space<vmem>>, vector<16xi32>,
      %get3A_387 = vector.shape_cast %get3A_386 : vector<16xi32> to vector<16xi32>
      %add3A_388 = arith.addi %mul3A_384, %get3A_387 : vector<16xi32>
      %max3A_389 = arith.constant 0 : i32
      %max3A_390 = vector.broadcast %max3A_389 : i32 to vector<16xi32>
      %max3A_391 = arith.maxsi %add3A_381, %max3A_390 : vector<16xi32>
      %swap3A_392 = arith.constant 80 : index
      %swap3A_393 = tpu.vector_load %arg12[%swap3A_392] {strides = array<i32>} : memref<128xi32, #tpu.memory_space<vmem>>, vector<16xi32>,
      %swap3A_394 = vector.shape_cast %swap3A_393 : vector<16xi32> to vector<16xi32>
      %swap3A_395 = vector.shape_cast %max3A_391 : vector<16xi32> to vector<16xi32>
      tpu.vector_store %arg12[%swap3A_392], %swap3A_395 {strides = array<i32>} : memref<128xi32, #tpu.memory_space<vmem>>, vector<16xi32>,
      %max3A_396 = arith.constant 0 : i32
      %max3A_397 = vector.broadcast %max3A_396 : i32 to vector<16xi32>
      %max3A_398 = arith.maxsi %add3A_388, %max3A_397 : vector<16xi32>
      %swap3A_399 = arith.constant 80 : index
      %swap3A_400 = tpu.vector_load %arg13[%swap3A_399] {strides = array<i32>} : memref<128xi32, #tpu.memory_space<vmem>>, vector<16xi32>,
      %swap3A_401 = vector.shape_cast %swap3A_400 : vector<16xi32> to vector<16xi32>
      %swap3A_402 = vector.shape_cast %max3A_398 : vector<16xi32> to vector<16xi32>
      tpu.vector_store %arg13[%swap3A_399], %swap3A_402 {strides = array<i32>} : memref<128xi32, #tpu.memory_space<vmem>>, vector<16xi32>,
      %sub3A_403 = vector.broadcast %mul3A_27 : i32 to vector<16xi32>
      %sub3A_404 = arith.subi %add3A_388, %sub3A_403 : vector<16xi32>
      %lt3A_405 = arith.constant 0 : i32
      %lt3A_406 = vector.broadcast %lt3A_405 : i32 to vector<16xi32>
      %lt3A_407 = arith.cmpi slt, %sub3A_404, %lt3A_406 : vector<16xi32>
      %ge3A_408 = arith.constant 10000 : i32
      %ge3A_409 = vector.broadcast %ge3A_408 : i32 to vector<16xi32>
      %ge3A_410 = arith.cmpi sge, %sub3A_404, %ge3A_409 : vector<16xi32>
      %or3A_411 = arith.ori %lt3A_407, %ge3A_410 : vector<16xi1>
      %jit3A_412 = arith.constant 10000 : i32
      %broadcast_in_dim3A_413 = vector.broadcast %jit3A_412 : i32 to vector<16xi32>
      %select_n3A_414 = arith.select %or3A_411, %broadcast_in_dim3A_413, %sub3A_404 : vector<16xi1>, vector<16xi32>
      %swap3A_415 = arith.constant 80 : index
      %swap3A_416 = tpu.vector_load %arg14[%swap3A_415] {strides = array<i32>} : memref<128xi32, #tpu.memory_space<vmem>>, vector<16xi32>,
      %swap3A_417 = vector.shape_cast %swap3A_416 : vector<16xi32> to vector<16xi32>
      %swap3A_418 = vector.shape_cast %select_n3A_414 : vector<16xi32> to vector<16xi32>
      tpu.vector_store %arg14[%swap3A_415], %swap3A_418 {strides = array<i32>} : memref<128xi32, #tpu.memory_space<vmem>>, vector<16xi32>,
      %sub3A_419 = vector.broadcast %mul3A_27 : i32 to vector<16xi32>
      %sub3A_420 = arith.subi %add3A_381, %sub3A_419 : vector<16xi32>
      %lt3A_421 = arith.constant 0 : i32
      %lt3A_422 = vector.broadcast %lt3A_421 : i32 to vector<16xi32>
      %lt3A_423 = arith.cmpi slt, %sub3A_420, %lt3A_422 : vector<16xi32>
      %ge3A_424 = arith.constant 10000 : i32
      %ge3A_425 = vector.broadcast %ge3A_424 : i32 to vector<16xi32>
      %ge3A_426 = arith.cmpi sge, %sub3A_420, %ge3A_425 : vector<16xi32>
      %or3A_427 = arith.ori %lt3A_423, %ge3A_426 : vector<16xi1>
      %jit3A_428 = arith.constant 10000 : i32
      %broadcast_in_dim3A_429 = vector.broadcast %jit3A_428 : i32 to vector<16xi32>
      %select_n3A_430 = arith.select %or3A_427, %broadcast_in_dim3A_429, %sub3A_420 : vector<16xi1>, vector<16xi32>
      %swap3A_431 = arith.constant 80 : index
      %swap3A_432 = tpu.vector_load %arg15[%swap3A_431] {strides = array<i32>} : memref<128xi32, #tpu.memory_space<vmem>>, vector<16xi32>,
      %swap3A_433 = vector.shape_cast %swap3A_432 : vector<16xi32> to vector<16xi32>
      %swap3A_434 = vector.shape_cast %select_n3A_430 : vector<16xi32> to vector<16xi32>
      tpu.vector_store %arg15[%swap3A_431], %swap3A_434 {strides = array<i32>} : memref<128xi32, #tpu.memory_space<vmem>>, vector<16xi32>,
      %get3A_435 = arith.constant 96 : index
      %get3A_436 = tpu.vector_load %arg9[%get3A_435] {strides = array<i32>} : memref<128xi32, #tpu.memory_space<vmem>>, vector<16xi32>,
      %get3A_437 = vector.shape_cast %get3A_436 : vector<16xi32> to vector<16xi32>
      %mul3A_438 = arith.constant 10000 : i32
      %mul3A_439 = vector.broadcast %mul3A_438 : i32 to vector<16xi32>
      %mul3A_440 = arith.muli %get3A_437, %mul3A_439 : vector<16xi32>
      %get3A_441 = arith.constant 96 : index
      %get3A_442 = tpu.vector_load %arg10[%get3A_441] {strides = array<i32>} : memref<128xi32, #tpu.memory_space<vmem>>, vector<16xi32>,
      %get3A_443 = vector.shape_cast %get3A_442 : vector<16xi32> to vector<16xi32>
      %add3A_444 = arith.addi %mul3A_440, %get3A_443 : vector<16xi32>
      %mul3A_445 = arith.constant 10000 : i32
      %mul3A_446 = vector.broadcast %mul3A_445 : i32 to vector<16xi32>
      %mul3A_447 = arith.muli %get3A_437, %mul3A_446 : vector<16xi32>
      %get3A_448 = arith.constant 96 : index
      %get3A_449 = tpu.vector_load %arg11[%get3A_448] {strides = array<i32>} : memref<128xi32, #tpu.memory_space<vmem>>, vector<16xi32>,
      %get3A_450 = vector.shape_cast %get3A_449 : vector<16xi32> to vector<16xi32>
      %add3A_451 = arith.addi %mul3A_447, %get3A_450 : vector<16xi32>
      %max3A_452 = arith.constant 0 : i32
      %max3A_453 = vector.broadcast %max3A_452 : i32 to vector<16xi32>
      %max3A_454 = arith.maxsi %add3A_444, %max3A_453 : vector<16xi32>
      %swap3A_455 = arith.constant 96 : index
      %swap3A_456 = tpu.vector_load %arg12[%swap3A_455] {strides = array<i32>} : memref<128xi32, #tpu.memory_space<vmem>>, vector<16xi32>,
      %swap3A_457 = vector.shape_cast %swap3A_456 : vector<16xi32> to vector<16xi32>
      %swap3A_458 = vector.shape_cast %max3A_454 : vector<16xi32> to vector<16xi32>
      tpu.vector_store %arg12[%swap3A_455], %swap3A_458 {strides = array<i32>} : memref<128xi32, #tpu.memory_space<vmem>>, vector<16xi32>,
      %max3A_459 = arith.constant 0 : i32
      %max3A_460 = vector.broadcast %max3A_459 : i32 to vector<16xi32>
      %max3A_461 = arith.maxsi %add3A_451, %max3A_460 : vector<16xi32>
      %swap3A_462 = arith.constant 96 : index
      %swap3A_463 = tpu.vector_load %arg13[%swap3A_462] {strides = array<i32>} : memref<128xi32, #tpu.memory_space<vmem>>, vector<16xi32>,
      %swap3A_464 = vector.shape_cast %swap3A_463 : vector<16xi32> to vector<16xi32>
      %swap3A_465 = vector.shape_cast %max3A_461 : vector<16xi32> to vector<16xi32>
      tpu.vector_store %arg13[%swap3A_462], %swap3A_465 {strides = array<i32>} : memref<128xi32, #tpu.memory_space<vmem>>, vector<16xi32>,
      %sub3A_466 = vector.broadcast %mul3A_27 : i32 to vector<16xi32>
      %sub3A_467 = arith.subi %add3A_451, %sub3A_466 : vector<16xi32>
      %lt3A_468 = arith.constant 0 : i32
      %lt3A_469 = vector.broadcast %lt3A_468 : i32 to vector<16xi32>
      %lt3A_470 = arith.cmpi slt, %sub3A_467, %lt3A_469 : vector<16xi32>
      %ge3A_471 = arith.constant 10000 : i32
      %ge3A_472 = vector.broadcast %ge3A_471 : i32 to vector<16xi32>
      %ge3A_473 = arith.cmpi sge, %sub3A_467, %ge3A_472 : vector<16xi32>
      %or3A_474 = arith.ori %lt3A_470, %ge3A_473 : vector<16xi1>
      %jit3A_475 = arith.constant 10000 : i32
      %broadcast_in_dim3A_476 = vector.broadcast %jit3A_475 : i32 to vector<16xi32>
      %select_n3A_477 = arith.select %or3A_474, %broadcast_in_dim3A_476, %sub3A_467 : vector<16xi1>, vector<16xi32>
      %swap3A_478 = arith.constant 96 : index
      %swap3A_479 = tpu.vector_load %arg14[%swap3A_478] {strides = array<i32>} : memref<128xi32, #tpu.memory_space<vmem>>, vector<16xi32>,
      %swap3A_480 = vector.shape_cast %swap3A_479 : vector<16xi32> to vector<16xi32>
      %swap3A_481 = vector.shape_cast %select_n3A_477 : vector<16xi32> to vector<16xi32>
      tpu.vector_store %arg14[%swap3A_478], %swap3A_481 {strides = array<i32>} : memref<128xi32, #tpu.memory_space<vmem>>, vector<16xi32>,
      %sub3A_482 = vector.broadcast %mul3A_27 : i32 to vector<16xi32>
      %sub3A_483 = arith.subi %add3A_444, %sub3A_482 : vector<16xi32>
      %lt3A_484 = arith.constant 0 : i32
      %lt3A_485 = vector.broadcast %lt3A_484 : i32 to vector<16xi32>
      %lt3A_486 = arith.cmpi slt, %sub3A_483, %lt3A_485 : vector<16xi32>
      %ge3A_487 = arith.constant 10000 : i32
      %ge3A_488 = vector.broadcast %ge3A_487 : i32 to vector<16xi32>
      %ge3A_489 = arith.cmpi sge, %sub3A_483, %ge3A_488 : vector<16xi32>
      %or3A_490 = arith.ori %lt3A_486, %ge3A_489 : vector<16xi1>
      %jit3A_491 = arith.constant 10000 : i32
      %broadcast_in_dim3A_492 = vector.broadcast %jit3A_491 : i32 to vector<16xi32>
      %select_n3A_493 = arith.select %or3A_490, %broadcast_in_dim3A_492, %sub3A_483 : vector<16xi1>, vector<16xi32>
      %swap3A_494 = arith.constant 96 : index
      %swap3A_495 = tpu.vector_load %arg15[%swap3A_494] {strides = array<i32>} : memref<128xi32, #tpu.memory_space<vmem>>, vector<16xi32>,
      %swap3A_496 = vector.shape_cast %swap3A_495 : vector<16xi32> to vector<16xi32>
      %swap3A_497 = vector.shape_cast %select_n3A_493 : vector<16xi32> to vector<16xi32>
      tpu.vector_store %arg15[%swap3A_494], %swap3A_497 {strides = array<i32>} : memref<128xi32, #tpu.memory_space<vmem>>, vector<16xi32>,
      %get3A_498 = arith.constant 112 : index
      %get3A_499 = tpu.vector_load %arg9[%get3A_498] {strides = array<i32>} : memref<128xi32, #tpu.memory_space<vmem>>, vector<16xi32>,
      %get3A_500 = vector.shape_cast %get3A_499 : vector<16xi32> to vector<16xi32>
      %mul3A_501 = arith.constant 10000 : i32
      %mul3A_502 = vector.broadcast %mul3A_501 : i32 to vector<16xi32>
      %mul3A_503 = arith.muli %get3A_500, %mul3A_502 : vector<16xi32>
      %get3A_504 = arith.constant 112 : index
      %get3A_505 = tpu.vector_load %arg10[%get3A_504] {strides = array<i32>} : memref<128xi32, #tpu.memory_space<vmem>>, vector<16xi32>,
      %get3A_506 = vector.shape_cast %get3A_505 : vector<16xi32> to vector<16xi32>
      %add3A_507 = arith.addi %mul3A_503, %get3A_506 : vector<16xi32>
      %mul3A_508 = arith.constant 10000 : i32
      %mul3A_509 = vector.broadcast %mul3A_508 : i32 to vector<16xi32>
      %mul3A_510 = arith.muli %get3A_500, %mul3A_509 : vector<16xi32>
      %get3A_511 = arith.constant 112 : index
      %get3A_512 = tpu.vector_load %arg11[%get3A_511] {strides = array<i32>} : memref<128xi32, #tpu.memory_space<vmem>>, vector<16xi32>,
      %get3A_513 = vector.shape_cast %get3A_512 : vector<16xi32> to vector<16xi32>
      %add3A_514 = arith.addi %mul3A_510, %get3A_513 : vector<16xi32>
      %max3A_515 = arith.constant 0 : i32
      %max3A_516 = vector.broadcast %max3A_515 : i32 to vector<16xi32>
      %max3A_517 = arith.maxsi %add3A_507, %max3A_516 : vector<16xi32>
      %swap3A_518 = arith.constant 112 : index
      %swap3A_519 = tpu.vector_load %arg12[%swap3A_518] {strides = array<i32>} : memref<128xi32, #tpu.memory_space<vmem>>, vector<16xi32>,
      %swap3A_520 = vector.shape_cast %swap3A_519 : vector<16xi32> to vector<16xi32>
      %swap3A_521 = vector.shape_cast %max3A_517 : vector<16xi32> to vector<16xi32>
      tpu.vector_store %arg12[%swap3A_518], %swap3A_521 {strides = array<i32>} : memref<128xi32, #tpu.memory_space<vmem>>, vector<16xi32>,
      %max3A_522 = arith.constant 0 : i32
      %max3A_523 = vector.broadcast %max3A_522 : i32 to vector<16xi32>
      %max3A_524 = arith.maxsi %add3A_514, %max3A_523 : vector<16xi32>
      %swap3A_525 = arith.constant 112 : index
      %swap3A_526 = tpu.vector_load %arg13[%swap3A_525] {strides = array<i32>} : memref<128xi32, #tpu.memory_space<vmem>>, vector<16xi32>,
      %swap3A_527 = vector.shape_cast %swap3A_526 : vector<16xi32> to vector<16xi32>
      %swap3A_528 = vector.shape_cast %max3A_524 : vector<16xi32> to vector<16xi32>
      tpu.vector_store %arg13[%swap3A_525], %swap3A_528 {strides = array<i32>} : memref<128xi32, #tpu.memory_space<vmem>>, vector<16xi32>,
      %sub3A_529 = vector.broadcast %mul3A_27 : i32 to vector<16xi32>
      %sub3A_530 = arith.subi %add3A_514, %sub3A_529 : vector<16xi32>
      %lt3A_531 = arith.constant 0 : i32
      %lt3A_532 = vector.broadcast %lt3A_531 : i32 to vector<16xi32>
      %lt3A_533 = arith.cmpi slt, %sub3A_530, %lt3A_532 : vector<16xi32>
      %ge3A_534 = arith.constant 10000 : i32
      %ge3A_535 = vector.broadcast %ge3A_534 : i32 to vector<16xi32>
      %ge3A_536 = arith.cmpi sge, %sub3A_530, %ge3A_535 : vector<16xi32>
      %or3A_537 = arith.ori %lt3A_533, %ge3A_536 : vector<16xi1>
      %jit3A_538 = arith.constant 10000 : i32
      %broadcast_in_dim3A_539 = vector.broadcast %jit3A_538 : i32 to vector<16xi32>
      %select_n3A_540 = arith.select %or3A_537, %broadcast_in_dim3A_539, %sub3A_530 : vector<16xi1>, vector<16xi32>
      %swap3A_541 = arith.constant 112 : index
      %swap3A_542 = tpu.vector_load %arg14[%swap3A_541] {strides = array<i32>} : memref<128xi32, #tpu.memory_space<vmem>>, vector<16xi32>,
      %swap3A_543 = vector.shape_cast %swap3A_542 : vector<16xi32> to vector<16xi32>
      %swap3A_544 = vector.shape_cast %select_n3A_540 : vector<16xi32> to vector<16xi32>
      tpu.vector_store %arg14[%swap3A_541], %swap3A_544 {strides = array<i32>} : memref<128xi32, #tpu.memory_space<vmem>>, vector<16xi32>,
      %sub3A_545 = vector.broadcast %mul3A_27 : i32 to vector<16xi32>
      %sub3A_546 = arith.subi %add3A_507, %sub3A_545 : vector<16xi32>
      %lt3A_547 = arith.constant 0 : i32
      %lt3A_548 = vector.broadcast %lt3A_547 : i32 to vector<16xi32>
      %lt3A_549 = arith.cmpi slt, %sub3A_546, %lt3A_548 : vector<16xi32>
      %ge3A_550 = arith.constant 10000 : i32
      %ge3A_551 = vector.broadcast %ge3A_550 : i32 to vector<16xi32>
      %ge3A_552 = arith.cmpi sge, %sub3A_546, %ge3A_551 : vector<16xi32>
      %or3A_553 = arith.ori %lt3A_549, %ge3A_552 : vector<16xi1>
      %jit3A_554 = arith.constant 10000 : i32
      %broadcast_in_dim3A_555 = vector.broadcast %jit3A_554 : i32 to vector<16xi32>
      %select_n3A_556 = arith.select %or3A_553, %broadcast_in_dim3A_555, %sub3A_546 : vector<16xi1>, vector<16xi32>
      %swap3A_557 = arith.constant 112 : index
      %swap3A_558 = tpu.vector_load %arg15[%swap3A_557] {strides = array<i32>} : memref<128xi32, #tpu.memory_space<vmem>>, vector<16xi32>,
      %swap3A_559 = vector.shape_cast %swap3A_558 : vector<16xi32> to vector<16xi32>
      %swap3A_560 = vector.shape_cast %select_n3A_556 : vector<16xi32> to vector<16xi32>
      tpu.vector_store %arg15[%swap3A_557], %swap3A_560 {strides = array<i32>} : memref<128xi32, #tpu.memory_space<vmem>>, vector<16xi32>,
      %dma_start3A_561 = arith.constant 0 : i32
      %dma_start3A_562 = arith.constant 0 : i32
      %dma_start3A_563 = tpu.memref_slice %arg2[%dma_start3A_561, %dma_start3A_562] : memref<40000x128xf32, #tpu.memory_space<hbm>> -> memref<40000x128xf32, #tpu.memory_space<hbm>>
      tpu.enqueue_indirect_dma source(%dma_start3A_563 : memref<40000x128xf32, #tpu.memory_space<hbm>>) target(%arg16 : memref<128x128xf32, #tpu.memory_space<vmem>>) offsets(%arg12 : memref<128xi32, #tpu.memory_space<vmem>>) semaphore(%arg19 : memref<!tpu.dma_semaphore, #tpu.memory_space<semaphore_mem>>)
      %dma_start3A_564 = arith.constant 0 : i32
      %dma_start3A_565 = arith.constant 0 : i32
      %dma_start3A_566 = tpu.memref_slice %arg2[%dma_start3A_564, %dma_start3A_565] : memref<40000x128xf32, #tpu.memory_space<hbm>> -> memref<40000x128xf32, #tpu.memory_space<hbm>>
      tpu.enqueue_indirect_dma source(%dma_start3A_566 : memref<40000x128xf32, #tpu.memory_space<hbm>>) target(%arg17 : memref<128x128xf32, #tpu.memory_space<vmem>>) offsets(%arg13 : memref<128xi32, #tpu.memory_space<vmem>>) semaphore(%arg20 : memref<!tpu.dma_semaphore, #tpu.memory_space<semaphore_mem>>)
      %dma_wait3A_567 = arith.constant 0 : i32
      %dma_wait3A_568 = arith.constant 0 : i32
      %dma_wait3A_569 = tpu.memref_slice %arg2[%dma_wait3A_567, %dma_wait3A_568] : memref<40000x128xf32, #tpu.memory_space<hbm>> -> memref<40000x128xf32, #tpu.memory_space<hbm>>
      tpu.wait_indirect_dma semaphore(%arg19 : memref<!tpu.dma_semaphore, #tpu.memory_space<semaphore_mem>>) src(%dma_wait3A_569 : memref<40000x128xf32, #tpu.memory_space<hbm>>) dst(%arg16 : memref<128x128xf32, #tpu.memory_space<vmem>>)
      "tpu.region"() ({
        %run_scoped3A = tpu.sem_alloc : memref<!tpu.dma_semaphore, #tpu.memory_space<semaphore_mem>>
        %dma_start3A_573 = arith.constant 0 : i32
        %dma_start3A_574 = arith.constant 0 : i32
        %dma_start3A_575 = tpu.memref_slice %arg8[%dma_start3A_573, %dma_start3A_574] : memref<10112x128xf32, #tpu.memory_space<vmem_shared>> -> memref<10112x128xf32, #tpu.memory_space<vmem_shared>>
        tpu.enqueue_indirect_dma source(%arg16 : memref<128x128xf32, #tpu.memory_space<vmem>>) target(%dma_start3A_575 : memref<10112x128xf32, #tpu.memory_space<vmem_shared>>) offsets(%arg14 : memref<128xi32, #tpu.memory_space<vmem>>) semaphore(%run_scoped3A : memref<!tpu.dma_semaphore, #tpu.memory_space<semaphore_mem>>) {add = true}
        %dma_wait3A_576 = arith.constant 0 : i32
        %dma_wait3A_577 = arith.constant 0 : i32
        %dma_wait3A_578 = tpu.memref_slice %arg8[%dma_wait3A_576, %dma_wait3A_577] : memref<10112x128xf32, #tpu.memory_space<vmem_shared>> -> memref<10112x128xf32, #tpu.memory_space<vmem_shared>>
        tpu.wait_indirect_dma semaphore(%run_scoped3A : memref<!tpu.dma_semaphore, #tpu.memory_space<semaphore_mem>>) src(%arg16 : memref<128x128xf32, #tpu.memory_space<vmem>>) dst(%dma_wait3A_578 : memref<10112x128xf32, #tpu.memory_space<vmem_shared>>)
        tpu.yield
      }) : () -> ()
      %dma_wait3A_570 = arith.constant 0 : i32
      %dma_wait3A_571 = arith.constant 0 : i32
      %dma_wait3A_572 = tpu.memref_slice %arg2[%dma_wait3A_570, %dma_wait3A_571] : memref<40000x128xf32, #tpu.memory_space<hbm>> -> memref<40000x128xf32, #tpu.memory_space<hbm>>
      tpu.wait_indirect_dma semaphore(%arg20 : memref<!tpu.dma_semaphore, #tpu.memory_space<semaphore_mem>>) src(%dma_wait3A_572 : memref<40000x128xf32, #tpu.memory_space<hbm>>) dst(%arg17 : memref<128x128xf32, #tpu.memory_space<vmem>>)
      "tpu.region"() ({
        %run_scoped3A = tpu.sem_alloc : memref<!tpu.dma_semaphore, #tpu.memory_space<semaphore_mem>>
        %dma_start3A_573 = arith.constant 0 : i32
        %dma_start3A_574 = arith.constant 0 : i32
        %dma_start3A_575 = tpu.memref_slice %arg8[%dma_start3A_573, %dma_start3A_574] : memref<10112x128xf32, #tpu.memory_space<vmem_shared>> -> memref<10112x128xf32, #tpu.memory_space<vmem_shared>>
        tpu.enqueue_indirect_dma source(%arg17 : memref<128x128xf32, #tpu.memory_space<vmem>>) target(%dma_start3A_575 : memref<10112x128xf32, #tpu.memory_space<vmem_shared>>) offsets(%arg15 : memref<128xi32, #tpu.memory_space<vmem>>) semaphore(%run_scoped3A : memref<!tpu.dma_semaphore, #tpu.memory_space<semaphore_mem>>) {add = true}
        %dma_wait3A_576 = arith.constant 0 : i32
        %dma_wait3A_577 = arith.constant 0 : i32
        %dma_wait3A_578 = tpu.memref_slice %arg8[%dma_wait3A_576, %dma_wait3A_577] : memref<10112x128xf32, #tpu.memory_space<vmem_shared>> -> memref<10112x128xf32, #tpu.memory_space<vmem_shared>>
        tpu.wait_indirect_dma semaphore(%run_scoped3A : memref<!tpu.dma_semaphore, #tpu.memory_space<semaphore_mem>>) src(%arg17 : memref<128x128xf32, #tpu.memory_space<vmem>>) dst(%dma_wait3A_578 : memref<10112x128xf32, #tpu.memory_space<vmem_shared>>)
        tpu.yield
      }) : () -> ()
    }
    %scan3A_38 = arith.constant 245 : i32
    %barrier3A_39 = arith.constant 0 : index
    tpu.barrier barrier_id(%barrier3A_39)
    %mul3A_40 = arith.constant 624 : i32
    %mul3A_41 = arith.muli %arg1, %mul3A_40 : i32
    %mul3A_42 = arith.constant 624 : i32
    %mul3A_43 = arith.muli %arg1, %mul3A_42 : i32
    %add3A_44 = arith.addi %mul3A_27, %mul3A_43 : i32
    "tpu.region"() ({
      %run_scoped3A = tpu.sem_alloc : memref<!tpu.dma_semaphore, #tpu.memory_space<semaphore_mem>>
      %dma_start3A = arith.constant 0 : i32
      %dma_start3A_51 = tpu.memref_slice %arg7[%add3A_44, %dma_start3A] : memref<40000x128xf32, #tpu.memory_space<hbm>> -> memref<624x128xf32, #tpu.memory_space<hbm>>
      %dma_start3A_52 = arith.constant 0 : i32
      %dma_start3A_53 = tpu.memref_slice %arg8[%mul3A_41, %dma_start3A_52] : memref<10112x128xf32, #tpu.memory_space<vmem_shared>> -> memref<624x128xf32, #tpu.memory_space<vmem_shared>>
      tpu.enqueue_dma source(%dma_start3A_53 : memref<624x128xf32, #tpu.memory_space<vmem_shared>>) target(%dma_start3A_51 : memref<624x128xf32, #tpu.memory_space<hbm>>) target_semaphore(%run_scoped3A : memref<!tpu.dma_semaphore, #tpu.memory_space<semaphore_mem>>)
      %dma_wait3A = arith.constant 0 : i32
      %dma_wait3A_54 = tpu.memref_slice %arg7[%add3A_44, %dma_wait3A] : memref<40000x128xf32, #tpu.memory_space<hbm>> -> memref<624x128xf32, #tpu.memory_space<hbm>>
      %dma_wait3A_55 = arith.constant 0 : i32
      %dma_wait3A_56 = tpu.memref_slice %arg8[%mul3A_41, %dma_wait3A_55] : memref<10112x128xf32, #tpu.memory_space<vmem_shared>> -> memref<624x128xf32, #tpu.memory_space<vmem_shared>>
      tpu.wait_dma2 semaphore(%run_scoped3A : memref<!tpu.dma_semaphore, #tpu.memory_space<semaphore_mem>>) src(%dma_wait3A_56 : memref<624x128xf32, #tpu.memory_space<vmem_shared>>) dst(%dma_wait3A_54 : memref<624x128xf32, #tpu.memory_space<hbm>>)
      tpu.yield
    }) : () -> ()
    %eq3A_45 = arith.constant 0 : i32
    %eq3A_46 = arith.cmpi eq, %arg1, %eq3A_45 : i32
    %convert_element_type3A_47 = arith.extui %eq3A_46 : i1 to i32
    %cond3A_48 = arith.constant 0 : i32
    %cond3A_49 = arith.cmpi ne, %convert_element_type3A_47, %cond3A_48 : i32
    scf.if %cond3A_49 {
      %add3A_51 = arith.constant 9984 : i32
      %add3A_52 = arith.addi %mul3A_27, %add3A_51 : i32
      "tpu.region"() ({
        %run_scoped3A = tpu.sem_alloc : memref<!tpu.dma_semaphore, #tpu.memory_space<semaphore_mem>>
        %dma_start3A = arith.constant 0 : i32
        %dma_start3A_53 = tpu.memref_slice %arg7[%add3A_52, %dma_start3A] : memref<40000x128xf32, #tpu.memory_space<hbm>> -> memref<16x128xf32, #tpu.memory_space<hbm>>
        %dma_start3A_54 = arith.constant 9984 : i32
        %dma_start3A_55 = arith.constant 0 : i32
        %dma_start3A_56 = tpu.memref_slice %arg8[%dma_start3A_54, %dma_start3A_55] : memref<10112x128xf32, #tpu.memory_space<vmem_shared>> -> memref<16x128xf32, #tpu.memory_space<vmem_shared>>
        tpu.enqueue_dma source(%dma_start3A_56 : memref<16x128xf32, #tpu.memory_space<vmem_shared>>) target(%dma_start3A_53 : memref<16x128xf32, #tpu.memory_space<hbm>>) target_semaphore(%run_scoped3A : memref<!tpu.dma_semaphore, #tpu.memory_space<semaphore_mem>>)
        %dma_wait3A = arith.constant 0 : i32
        %dma_wait3A_57 = tpu.memref_slice %arg7[%add3A_52, %dma_wait3A] : memref<40000x128xf32, #tpu.memory_space<hbm>> -> memref<16x128xf32, #tpu.memory_space<hbm>>
        %dma_wait3A_58 = arith.constant 9984 : i32
        %dma_wait3A_59 = arith.constant 0 : i32
        %dma_wait3A_60 = tpu.memref_slice %arg8[%dma_wait3A_58, %dma_wait3A_59] : memref<10112x128xf32, #tpu.memory_space<vmem_shared>> -> memref<16x128xf32, #tpu.memory_space<vmem_shared>>
        tpu.wait_dma2 semaphore(%run_scoped3A : memref<!tpu.dma_semaphore, #tpu.memory_space<semaphore_mem>>) src(%dma_wait3A_60 : memref<16x128xf32, #tpu.memory_space<vmem_shared>>) dst(%dma_wait3A_57 : memref<16x128xf32, #tpu.memory_space<hbm>>)
        tpu.yield
      }) : () -> ()
    } else {
    }
    %barrier3A_50 = arith.constant 0 : index
    tpu.barrier barrier_id(%barrier3A_50)
    return
  }
}

</mosaic_0001>

<sc_bundles>
// kernel: kernel.3.cloned.1.call-start
scs
__scs_entry_jumppad:
0x0: {  	(pc) =	sbr.rel $0x88, $3  }
0x1: {  	(tag) =	ssettag $0x0;
	lr =	simm.s32 $0x1  }
0x2: {  	[smem:$0x3F9D] =	sst lr;
	_ =	strace $0xD0000000  }
0x3: {  	_ = 	snop  }
0x4: {  	_ = 	snop  }
0x5: {  	_ = 	snop  }
0x6: {  	_ = 	snop  }
0x7: {  	_ = 	snop  }
__scs_overlays_trampoline_lowered:
0x8: {  	[smem:$0x3FAC] =	sst s0  }
0x9: {  	[smem:$0x3FAD] =	sst s1  }
0xa: {  	[smem:$0x3FAE] =	sst s2  }
0xb: {  	[smem:$0x3FAF] =	sst s3  }
0xc: {  	[smem:$0x3FB0] =	sst s4  }
0xd: {  	[smem:$0x3FB1] =	sst s5  }
0xe: {  	[smem:$0x3FB2] =	sst s6  }
0xf: {  	[smem:$0x3FB3] =	sst s7  }
0x10: {  	[smem:$0x3FB4] =	sst s8  }
0x11: {  	[smem:$0x3FB5] =	sst s9;
	s0 =	simm.s32 @!p0 $0x0  }
0x12: {  	s1 =	sld [smem:$0x3F9B];
	s0 =	simm.s32 @p0 $0x1  }
0x13: {  	[smem:$0x3FB6] =	sst s0;
	s0 =	simm.s32 @!p1 $0x0  }
0x14: {  	s2 =	sld [smem:$0x3F9A];
	s0 =	simm.s32 @p1 $0x1  }
0x15: {  	[smem:$0x3FB7] =	sst s0;
	s0 =	simm.s32 @!p2 $0x0  }
0x16: {  	s3 =	sld [smem:$0x3FDB];
	s0 =	simm.s32 @p2 $0x1  }
0x17: {  	s4 =	simm.s32 $0x1BF5;
	[smem:$0x3FB9] =	sst s0  }
0x18: {  	s0 =	sld [smem:$0x3F9C];
	_ =	swait.ge [sflag:s4], $0x0  }
0x19: {  	s7 =	sld [smem:$0x3F9D]  }
0x1a: {  	s8 =	sadd.s32 $0xFFFFE003, lr  }
0x1b: {  	s9 =	sadd.s32 $0xFFFFFEF7, lr;
	s5 =	simm.s32 $0xFFFFFFFF;
	p2 =	slt.u32 s8, $0xFFFFF086  }
0x1c: {  	p1 =	slt.u32 s9, $0xF7A;
	s5 =	simm.s32 @!p2 $0x0  }
0x1d: {  	s5 =	simm.s32 @p1 $0x1;
	p0 =	seq.s32 s7, s2  }
0x1e: {  	s7 =	smul.u32 @!p0 $0xF7A, s2;
	p2 =	seq.s32 @!p0 s5, $0x0  }
0x1f: {  	s9 =	smul.u32 $0xF7A, s1;
	s8 =	simm.s32 @!p0 $0x1BF5;
	p2 =	por !p2, p0  }
0x20: {  	[sflag:s8] =	ssyncset.s32 @!p0 $0xFFFFF086;
	s6 =	sadd.s32 @!p0 s3, s7;
	s7 =	simm.s32 @!p0 $0x108  }
0x21: {  	s3 =	sadd.s32 s3, s9;
	s6 =	sadd.s32 @!p0 $0x88, s6;
	s7 =	simm.s32 @p2 $0x1082  }
0x22: {  	[simem:s7], [sflag:s8] =	dma.local @!p0 [hbm:s6], $0xF7A  }
0x23: {  	s9 =	sor.u32 $0xD0000000, s2;
	s6 =	simm.s32 $0x108;
	_ =	swait.ge @!p0 [sflag:s8], $0x0  }
0x24: {  	s3 =	sadd.s32 $0x88, s3;
	s6 =	simm.s32 @!p1 $0x1082;
	[sflag:s4] =	ssyncset.s32 $0xFFFFF086  }
0x25: {  	[simem:s6], [sflag:s4] =	dma.local [hbm:s3], $0xF7A  }
0x26: {  	[smem:$0x3F9D] =	sst s1;
	(tag) =	ssettag s2;
	_ =	strace s9  }
0x27: {  	s1 =	sld [smem:$0x3FAD]  }
0x28: {  	s2 =	sld [smem:$0x3FAE]  }
0x29: {  	s4 =	sld [smem:$0x3FB0]  }
0x2a: {  	p0 =	seq.s32 s5, $0x0;
	s5 =	sld [smem:$0x3FB1]  }
0x2b: {  	s6 =	sld [smem:$0x3FB2]  }
0x2c: {  	s7 =	sld [smem:$0x3FB3]  }
0x2d: {  	s3 =	simm.s32 $0x108;
	s8 =	sld [smem:$0x3FB4]  }
0x2e: {  	s3 =	simm.s32 @!p0 $0x1082;
	s9 =	sld [smem:$0x3FB5]  }
0x2f: {  	lr =	sadd.s32 s0, s3;
	s0 =	sld [smem:$0x3FAC]  }
0x30: {  	s3 =	sld [smem:$0x3FAF]  }
0x31: {  	[smem:$0x3FB8] =	sst s10  }
0x32: {  	s10 =	sld [smem:$0x3FB6];
	_ =	sdelay $0x3  }
0x33: {  	p0 =	seq.s32 s10, $0x1;
	s10 =	sld [smem:$0x3FB8];
	_ =	sdelay $0x3  }
0x34: {  	[smem:$0x3FB8] =	sst s10  }
0x35: {  	s10 =	sld [smem:$0x3FB7];
	_ =	sdelay $0x3  }
0x36: {  	p1 =	seq.s32 s10, $0x1;
	s10 =	sld [smem:$0x3FB8];
	_ =	sdelay $0x3  }
0x37: {  	[smem:$0x3FB8] =	sst s10  }
0x38: {  	s10 =	sld [smem:$0x3FB9]  }
0x39: {  	_ = 	snop;
	(pc) =	sbr.ind lr, $3  }
0x3a: {  	_ = 	snop  }
0x3b: {  	_ = 	snop  }
0x3c: {  	p2 =	seq.s32 s10, $0x1;
	s10 =	sld [smem:$0x3FB8]  }
0x3d: {  	_ =	shalt  }
0x3e: {  	_ =	shalt  }
0x3f: {  	_ =	shalt  }
0x40: {  	_ =	shalt  }
0x41: {  	_ =	shalt  }
0x42: {  	_ =	shalt  }
0x43: {  	_ =	shalt  }
0x44: {  	_ =	shalt  }
0x45: {  	_ =	shalt  }
0x46: {  	_ =	shalt  }
0x47: {  	_ =	shalt  }
0x48: {  	_ =	shalt  }
0x49: {  	_ =	shalt  }
0x4a: {  	_ =	shalt  }
0x4b: {  	_ =	shalt  }
0x4c: {  	_ =	shalt  }
0x4d: {  	_ =	shalt  }
0x4e: {  	_ =	shalt  }
0x4f: {  	_ =	shalt  }
0x50: {  	_ =	shalt  }
0x51: {  	_ =	shalt  }
0x52: {  	_ =	shalt  }
0x53: {  	_ =	shalt  }
0x54: {  	_ =	shalt  }
0x55: {  	_ =	shalt  }
0x56: {  	_ =	shalt  }
0x57: {  	_ =	shalt  }
0x58: {  	_ =	shalt  }
0x59: {  	_ =	shalt  }
0x5a: {  	_ =	shalt  }
0x5b: {  	_ =	shalt  }
0x5c: {  	_ =	shalt  }
0x5d: {  	_ =	shalt  }
0x5e: {  	_ =	shalt  }
0x5f: {  	_ =	shalt  }
0x60: {  	_ =	shalt  }
0x61: {  	_ =	shalt  }
0x62: {  	_ =	shalt  }
0x63: {  	_ =	shalt  }
0x64: {  	_ =	shalt  }
0x65: {  	_ =	shalt  }
0x66: {  	_ =	shalt  }
0x67: {  	_ =	shalt  }
0x68: {  	_ =	shalt  }
0x69: {  	_ =	shalt  }
0x6a: {  	_ =	shalt  }
0x6b: {  	_ =	shalt  }
0x6c: {  	_ =	shalt  }
0x6d: {  	_ =	shalt  }
0x6e: {  	_ =	shalt  }
0x6f: {  	_ =	shalt  }
0x70: {  	_ =	shalt  }
0x71: {  	_ =	shalt  }
0x72: {  	_ =	shalt  }
0x73: {  	_ =	shalt  }
0x74: {  	_ =	shalt  }
0x75: {  	_ =	shalt  }
0x76: {  	_ =	shalt  }
0x77: {  	_ =	shalt  }
0x78: {  	_ =	shalt  }
0x79: {  	_ =	shalt  }
0x7a: {  	_ =	shalt  }
0x7b: {  	_ =	shalt  }
0x7c: {  	_ =	shalt  }
0x7d: {  	_ =	shalt  }
0x7e: {  	_ =	shalt  }
0x7f: {  	_ =	shalt  }
0x80: {  	_ =	shalt  }
0x81: {  	_ =	shalt  }
0x82: {  	_ =	shalt  }
0x83: {  	_ =	shalt  }
0x84: {  	_ =	shalt  }
0x85: {  	_ =	shalt  }
0x86: {  	_ =	shalt  }
0x87: {  	_ =	shalt  }
.Lfunc_end0:
.L_simem_size_0:
called_computation_lowered:
.L_overlay_start_0:
0x88: {  	s2 =	sld [smem:$0x3FD9]  }
0x89: {  	s3 =	sld [smem:$0x3FFE];
	_ =	sdelay $0x1  }
0x8a: {  	s1 =	srdreg.scid  }
0x8b: {  	s0 =	sand.u32 $0x1, s1  }
0x8c: {  	s17 =	sshll.u32 s0, $0xA;
	s2 =	sadd.s32 s3, s2  }
0x8d: {  	s2 =	sadd.s32 s2, s17  }
0x8e: {  	[smem:$0x3FC4] =	sst s2  }
0x8f: {  	_ = 	snop  }
0x90: {  	s2 =	sld [smem:$0x3FC9]  }
0x91: {  	s18 =	sld [smem:$0x3FD0];
	(tm) =	ssettm $0x1  }
0x92: {  	s4 =	sld [smem:$0x3FFB];
	_ =	sdelay $0x3  }
0x93: {  	_ =	strace s4  }
0x94: {  	s4 =	sld [smem:$0x3FFC];
	_ =	sdelay $0x3  }
0x95: {  	_ =	strace s4  }
0x96: {  	s4 =	sld [smem:$0x3FFD];
	_ =	sdelay $0x3  }
0x97: {  	_ =	strace s4  }
0x98: {  	_ =	strace $0x8FFFFFFF  }
0x99: {  	s19 =	sld [smem:$0x3FDB];
	_ =	sdelay $0x1  }
0x9a: {  	s5 =	simm.s32 $_scs_section_size  }
0x9b: {  	s6 =	simm.s32 $_size__tile_overlayer_lowered;
	s7 =	simm.s32 $_tile_overlayer_lowered  }
0x9c: {  	s22 =	simm.s32 $0x1BFF;
	s21 =	sshll.u32 s7, $0x1;
	s4 =	sadd.s32 s5, s19  }
0x9d: {  	s8 =	simm.s32 $0x0;
	s20 =	sshll.u32 s6, $0x1;
	s6 =	sadd.s32 s21, s4  }
0x9e: {  	[timem:s8], [sflag:s22] =	dma.local [hbm:s6], s20  }
0x9f: {  	_ =	swait.ge [sflag:s22], s20  }
0xa0: {  	s5 =	ssub.s32 $0x0, s20;
	[sflag:s22] =	ssyncset.done $0x0  }
0xa1: {  	[sflag:s22] =	ssyncadd.s32 s5;
	_ =	sdelay $0x1  }
0xa2: {  	s23 =	simm.s32 $0x1B8B  }
0xa3: {  	_ =	swait.ge [sflag:s23], $0x1  }
0xa4: {  	[sflag:s23] =	ssyncset.done $0x0  }
0xa5: {  	s25 =	simm.s32 $0x1B8E;
	s24 =	sld [smem:$0x3FFE];
	[sflag:s23] =	ssyncadd.s32 $0xFFFFFFFF  }
0xa6: {  	s26 =	simm.s32 $execute0_lowered;
	[smem:$0x3FD2] =	sst s25  }
0xa7: {  	s6 =	sshll.u32 s26, $0x1;
	_ =	strace $0x80000046;
	[dreg:$0x1] =	wrdreg $0xFFFFFFFF  }
0xa8: {  	s28 =	simm.s32 $_size_execute0_lowered;
	s4 =	sadd.s32 s4, s6;
	[dreg:$0x0] =	wrdreg $0x0  }
0xa9: {  	s6 =	sshll.u32 s28, $0x1;
	[dreg:$0x2] =	wrdreg s4  }
0xaa: {  	[dreg:$0x3] =	wrdreg s6  }
0xab: {  	[dreg:$0x4] =	wrdreg $0xC0  }
0xac: {  	_ =	task [dreg:s8], $0x5FFFF  }
0xad: {  	[dreg:$0x1] =	wrdreg $0xFFFFFFFF  }
0xae: {  	[dreg:$0x0] =	wrdreg $0x60  }
0xaf: {  	[dreg:$0x2] =	wrdreg s2  }
0xb0: {  	[dreg:$0x3] =	wrdreg s24  }
0xb1: {  	[dreg:$0x4] =	wrdreg s18  }
0xb2: {  	[dreg:$0x5] =	wrdreg $0x0  }
0xb3: {  	[dreg:$0x6] =	wrdreg $0x9  }
0xb4: {  	_ =	task.clear_ibuf [dreg:s8], $0x7FFFF;
	_ =	strace $0x90000046  }
0xb5: {  	s29 =	simm.s32 $0x9;
	_ =	strace $0x80000048  }
0xb6: {  	_ =	swait.ge [sflag:s29], $0x1  }
0xb7: {  	[sflag:s29] =	ssyncadd.s32 $0xFFFFFFFF  }
0xb8: {  	_ =	strace $0x90000048  }
0xb9: {  	_ =	sfence  }
0xba: {  	s30 =	sld [smem:$0x0];
	_ =	sdelay $0x2  }
0xbb: {  	s31 =	sshll.u32 s1, $0xD;
	s1 =	sshrl.u32 s1, $0x2  }
0xbc: {  	s3 =	sand.u32 $0x4000, s31;
	s1 =	sadd.s32 s1, s30  }
0xbd: {  	s0 =	sor.u32 s3, s0;
	s1 =	sshll.u32 s1, $0x11  }
0xbe: {  	s0 =	sor.u32 s1, s0  }
0xbf: {  	s0 =	sadd.s32 $0x8F2B, s0  }
0xc0: {  	[sflag:s0] =	ssyncadd.remote.s32 $0x1  }
0xc1: {  	_ =	sfence.sel $0xFFFF  }
0xc2: {  	[dreg:$0x0] =	wrdreg $0xFFFFFFFF;
	(pc) =	sbr.abs _section_cstart, $3  }
0xc3: {  	[dreg:$0x1] =	wrdreg $0xFFFFFFFF  }
0xc4: {  	_ =	task.clear_ibuf [dreg:s8], $0x2FFFF;
	_ =	strace $0x9FFFFFFF  }
0xc5: {  	(tm) =	ssettm $0x7FFFFFFF  }
tec
execute0_lowered:
.L_overlay_start_1:
0x0: {  	(tag) =	ssettag $0x1  }
0x1: {  	s1 =	rddreg [dreg:$0x0]  }
0x2: {  	s0 =	rddreg [dreg:$0x1]  }
0x3: {  	s4 =	rddreg [dreg:$0x2]  }
0x4: {  	s2 =	rddreg [dreg:$0x3];
	s6 =	stileid.u32  }
0x5: {  	s5 =	srdreg.scid;
	s3 =	simm.s32 $0x0;
	s7 =	smul.u32 $0xF50, s6  }
0x6: {  	s28 =	simm.s32 $0x2;
	s29 =	simm.s32 $0x13E80;
	s10 =	smul.u32 $0x4F000, s6  }
0x7: {  	s31 =	simm.s32 $0x13F00;
	s8 =	sand.u32 $0x1, s5;
	s12 =	smul.u32 $0x2780, s6  }
0x8: {  	[smem:$0x7FF] =	sst s3;
	s17 =	smul.u32 $0x270, s6;
	s19 =	sshll.u32 s6, $0x6  }
0x9: {  	s14 =	smul.u32 $0x4E000, s6;
	s24 =	sadd.s32 $0x138000, s2;
	p0 =	sne.s32 s6, $0x0  }
0xa: {  	s9 =	smul.u32 $0x4E20, s8;
	_ =	strace $0x80000047;
	s5 =	ssub.s32 $0x2, s8  }
0xb: {  	s8 =	smul.u32 $0x271000, s8;
	[dreg:$0x7] =	wrdreg s24;
	s24 =	simm.s32 $0x13F80  }
0xc: {  	s7 =	sadd.s32 s7, s0;
	s11 =	sshrl.u32 s5, $0x1;
	s0 =	sadd.s32 $0x2FA00, s0  }
0xd: {  	s18 =	sshrl.u32 s10, $0x2;
	s4 =	sadd.s32 s4, s12;
	s20 =	sshrl.u32 s14, $0x2  }
0xe: {  	s13 =	ssub.s32 s5, s11;
	s16 =	sadd.s32 s18, s2;
	s5 =	sor.u32 $0x1C04, s19  }
0xf: {  	s21 =	sadd.s32 s17, s9;
	s10 =	sadd.s32 s20, s2;
	s30 =	sadd.s32 $0x2710, s9  }
0x10: {  	s8 =	sshrl.u32 s8, $0x3;
	s14 =	sadd.s32 $0x1800, s7;
	s15 =	sadd.s32 $0x20400, s7  }
0x11: {  	s18 =	simm.s32 $0x13C00;
	s19 =	simm.s32 $0x13C80;
	s20 =	simm.s32 $0x13D00  }
0x12: {  	[dreg:$0x5] =	wrdreg s10;
	s22 =	sshll.u32 s21, $0x4;
	s23 =	sadd.s32 s17, s30  }
0x13: {  	s8 =	sadd.s32 s0, s8;
	s12 =	smax.u32 s13, $0x1;
	s13 =	sadd.s32 $0x10E00, s7  }
0x14: {  	s16 =	sshrl.u32 s16, $0x3;
	s17 =	simm.s32 $0x4;
	s10 =	sadd.s32 s0, s22  }
0x15: {  	s21 =	simm.s32 $0x1;
	s25 =	sadd.s32 $0x27000, s8;
	[dreg:$0x6] =	wrdreg s10  }
0x16: {  	v1 =	vmov s30;
	s30 =	simm.s32 $0x3;
	s26 =	sadd.s32 $0x4E100, s8;
	[dreg:$0x8] =	wrdreg s25  }
0x17: {  	s22 =	simm.s32 $0x80;
	s10 =	sshll.u32 s23, $0x4;
	[dreg:$0xa] =	wrdreg s26  }
0x18: {  	s23 =	simm.s32 $0x13D80;
	s25 =	simm.s32 $0x13E00;
	s0 =	sadd.s32 s0, s10  }
0x19: {  	v0 =	vmov s9;
	s26 =	simm.s32 $0x17F80;
	[dreg:$0x9] =	wrdreg s0;
	s0 =	simm.s32 $0x0  }
.LBB2_1:
0x1a: {  	[spmem:s16], [sflag:s5] =	dma.local [hbm:s4], $0x2780  }
0x1b: {  	_ =	swait.ge [sflag:s17], $0x2780  }
0x1c: {  	[sflag:s17] =	ssyncset.done $0x0  }
0x1d: {  	[sflag:s17] =	ssyncadd.s32 $0xFFFFD880  }
0x1e: {  	s6 =	sadd.s32 $0x0, s15;
	[bflag:$0x0] =	sbarrier.arrive $0xFFFF  }
0x1f: {  	[tilespmem:s18], [sflag:$0x1] =	stream.linear.gather [hbm4b:s6+s3], $0x80, $0x38;
	[tilespmem:$0x1BF80] =	vst v63  }
0x20: {  	s10 =	sadd.s32 $0x0, s14  }
0x21: {  	[tilespmem:s19], [sflag:$0x1] =	stream.linear.gather [hbm4b:s10+s3], $0x80, $0x38;
	[tilespmem:$0x1BF80] =	vst v63  }
0x22: {  	s11 =	sadd.s32 $0x0, s13  }
0x23: {  	[tilespmem:s20], [sflag:$0x1] =	stream.linear.gather [hbm4b:s11+s3], $0x80, $0x38;
	[tilespmem:$0x1BF80] =	vst v63  }
0x24: {  	_ =	swait.ge [sflag:s21], $0x80  }
0x25: {  	[sflag:s21] =	ssyncset.done $0x0  }
0x26: {  	[sflag:s21] =	ssyncadd.s32 $0xFFFFFF80  }
0x27: {  	_ =	swait.ge [sflag:s21], $0x80  }
0x28: {  	[sflag:s21] =	ssyncset.done $0x0  }
0x29: {  	[sflag:s21] =	ssyncadd.s32 $0xFFFFFF80  }
0x2a: {  	_ =	swait.ge [sflag:s21], $0x80  }
0x2b: {  	[sflag:s21] =	ssyncset.done $0x0  }
0x2c: {  	[sflag:s21] =	ssyncadd.s32 $0xFFFFFF80  }
0x2d: {  	v2 =	vld [tilespmem:$0x13D60]  }
0x2e: {  	v3 =	vld [tilespmem:$0x13C60]  }
0x2f: {  	v4 =	vld [tilespmem:$0x13C50]  }
0x30: {  	v5 =	vld [tilespmem:$0x13CE0]  }
0x31: {  	v8 =	vld [tilespmem:$0x13C10]  }
0x32: {  	v6 =	vld [tilespmem:$0x13CD0]  }
0x33: {  	v7 =	vld [tilespmem:$0x13D50];
	v3 =	vmul.u32 $0x2710, v3  }
0x34: {  	v9 =	vld [tilespmem:$0x13D10]  }
0x35: {  	v4 =	vmul.u32 $0x2710, v4;
	v5 =	vadd.s32 v5, v3  }
0x36: {  	v8 =	vmul.u32 $0x2710, v8;
	v2 =	vadd.s32 v3, v2;
	vm0 =	vgt.s32 v5, $0x0  }
0x37: {  	v11 =	vld [tilespmem:$0x13C90];
	v6 =	vadd.s32 v6, v4;
	v3 =	vsub.s32 v2, v0;
	v10 =	vnsel vm0, $0x0, v5  }
0x38: {  	v4 =	vadd.s32 v4, v7;
	v7 =	vld [tilespmem:$0x13C40];
	v3 =	vmin.u32 v3, $0x2710;
	vm0 =	vgt.s32 v6, $0x0;
	[tilespmem:$0x13DE0] =	vst v10  }
0x39: {  	v9 =	vadd.s32 v8, v9;
	[tilespmem:$0x13EE0] =	vst v3;
	v3 =	vnsel vm0, $0x0, v6;
	v10 =	vsub.s32 v4, v0  }
0x3a: {  	v12 =	vsub.s32 v9, v0;
	vm0 =	vgt.s32 v2, $0x0;
	[tilespmem:$0x13DD0] =	vst v3;
	v3 =	vmin.u32 v10, $0x2710;
	v10 =	vld [tilespmem:$0x13CC0]  }
0x3b: {  	v2 =	vnsel vm0, $0x0, v2;
	vm0 =	vgt.s32 v4, $0x0;
	[tilespmem:$0x13ED0] =	vst v3;
	v3 =	vsub.s32 v5, v0;
	v5 =	vld [tilespmem:$0x13D40]  }
0x3c: {  	[tilespmem:$0x13E60] =	vst v2;
	v4 =	vnsel vm0, $0x0, v4;
	v2 =	vmin.u32 v3, $0x2710;
	v3 =	vadd.s32 v11, v8;
	v8 =	vld [tilespmem:$0x13C70]  }
0x3d: {  	v61 =	vld [tilespmem:$0x13CF0];
	vm1 =	vgt.s32 v9, $0x0;
	v7 =	vmul.u32 $0x2710, v7;
	[tilespmem:$0x13E50] =	vst v4;
	v4 =	vsub.s32 v6, v0  }
0x3e: {  	v11 =	vld [tilespmem:$0x13D70];
	vm0 =	vgt.s32 v3, $0x0;
	v4 =	vmin.u32 v4, $0x2710;
	[tilespmem:$0x13F60] =	vst v2;
	v2 =	vnsel vm1, $0x0, v9  }
0x3f: {  	v9 =	vld [tilespmem:$0x13C00];
	v6 =	vnsel vm0, $0x0, v3;
	v3 =	vsub.s32 v3, v0;
	[tilespmem:$0x13F50] =	vst v4;
	v10 =	vadd.s32 v10, v7  }
0x40: {  	v13 =	vld [tilespmem:$0x13D20];
	[tilespmem:$0x13E10] =	vst v2;
	v3 =	vmin.u32 v3, $0x2710;
	v4 =	vadd.s32 v7, v5;
	vm0 =	vgt.s32 v10, $0x0  }
0x41: {  	[tilespmem:$0x13D90] =	vst v6;
	v5 =	vnsel vm0, $0x0, v10;
	v7 =	vmul.u32 $0x2710, v8;
	v8 =	vsub.s32 v10, v0;
	v10 =	vld [tilespmem:$0x13C80]  }
0x42: {  	v6 =	vld [tilespmem:$0x13C20];
	[tilespmem:$0x13F10] =	vst v3;
	vm1 =	vgt.s32 v4, $0x0;
	v3 =	vsub.s32 v4, v0  }
0x43: {  	v2 =	vld [tilespmem:$0x13D00];
	v4 =	vnsel vm1, $0x0, v4;
	[tilespmem:$0x13DC0] =	vst v5;
	v3 =	vmin.u32 v3, $0x2710;
	v5 =	vmin.u32 v8, $0x2710  }
0x44: {  	v63 =	vld [tilespmem:$0x13CA0];
	v9 =	vmul.u32 $0x2710, v9;
	v8 =	vadd.s32 v61, v7;
	v7 =	vadd.s32 v7, v11;
	[tilespmem:$0x13E40] =	vst v4  }
0x45: {  	[tilespmem:$0x13EC0] =	vst v3;
	vm0 =	vgt.s32 v8, $0x0;
	v62 =	vsub.s32 v7, v0;
	v3 =	vsub.s32 v8, v0  }
0x46: {  	v11 =	vld [tilespmem:$0x13C30];
	[tilespmem:$0x13F40] =	vst v5;
	v4 =	vnsel vm0, $0x0, v8;
	v8 =	vmin.u32 v62, $0x2710;
	v10 =	vadd.s32 v10, v9  }
0x47: {  	v6 =	vmul.u32 $0x2710, v6;
	v3 =	vmin.u32 v3, $0x2710;
	[tilespmem:$0x13EF0] =	vst v8;
	v5 =	vsub.s32 v10, v0  }
0x48: {  	v2 =	vadd.s32 v9, v2;
	v9 =	vld [tilespmem:$0x13CB0];
	[tilespmem:$0x13F70] =	vst v3;
	v8 =	vmin.u32 v5, $0x2710  }
0x49: {  	vm1 =	vgt.s32 v7, $0x0;
	v3 =	vadd.s32 v6, v13;
	[tilespmem:$0x13F00] =	vst v8;
	v8 =	vadd.s32 v63, v6;
	v6 =	vld [tilespmem:$0x13D30]  }
0x4a: {  	v12 =	vmin.u32 v12, $0x2710;
	v7 =	vnsel vm1, $0x0, v7;
	vm1 =	vgt.s32 v2, $0x0;
	[tilespmem:$0x13DF0] =	vst v4  }
0x4b: {  	v4 =	vsub.s32 v2, v0;
	[tilespmem:$0x13E70] =	vst v7;
	v2 =	vnsel vm1, $0x0, v2;
	v7 =	vmul.u32 $0x2710, v11  }
0x4c: {  	[tilespmem:$0x13E90] =	vst v12;
	vm0 =	vgt.s32 v10, $0x0;
	v4 =	vmin.u32 v4, $0x2710;
	vm1 =	vgt.s32 v3, $0x0  }
0x4d: {  	s7 =	simm.s32 $0x20;
	s6 =	simm.s32 $0x10;
	[tilespmem:$0x13E00] =	vst v2;
	v5 =	vnsel vm0, $0x0, v10;
	vm0 =	vgt.s32 v8, $0x0;
	v2 =	vadd.s32 v9, v7  }
.LBB2_2:
0x4e: {  	p1 =	sne.s32 s7, $0xF40;
	[tilespmem:$0x13E80] =	vst v4;
	v4 =	vsub.s32 v3, v0;
	v9 =	vsub.s32 v8, v0;
	v6 =	vadd.s32 v7, v6;
	s8 =	smov.u32 s7;
	s7 =	sadd.s32 $0x10, s7  }
0x4f: {  	v3 =	vnsel vm1, $0x0, v3;
	[tilespmem:$0x13D80] =	vst v5;
	v5 =	vnsel vm0, $0x0, v8;
	v7 =	vsub.s32 v6, v0  }
0x50: {  	vm0 =	vgt.s32 v2, $0x0;
	vm1 =	vgt.s32 v6, $0x0;
	[tilespmem:$0x13E20] =	vst v3;
	v3 =	vsub.s32 v2, v0  }
0x51: {  	v2 =	vnsel vm0, $0x0, v2;
	[tilespmem:$0x13DA0] =	vst v5;
	v5 =	vnsel vm1, $0x0, v6;
	v3 =	vmin.u32 v3, $0x2710  }
0x52: {  	v4 =	vmin.u32 v4, $0x2710;
	v7 =	vmin.u32 v7, $0x2710;
	v6 =	vmin.u32 v9, $0x2710;
	[tilespmem:$0x13F30] =	vst v3  }
0x53: {  	[tilespmem:$0x13F20] =	vst v6  }
0x54: {  	[tilespmem:$0x13EB0] =	vst v7  }
0x55: {  	[tilespmem:$0x13E30] =	vst v5  }
0x56: {  	[tilespmem:$0x13EA0] =	vst v4  }
0x57: {  	[tilespmem:$0x13DB0] =	vst v2  }
0x58: {  	[tilespmem:s24], [sflag:$0x2] =	stream.indirect.gather [hbm4b:s1+s22], $0x80, s23, s22, $0xb8;
	[tilespmem:$0x1BF80] =	vst v63  }
0x59: {  	_ = 	snop  }
0x5a: {  	[tilespmem:s26], [sflag:$0x3] =	stream.indirect.gather [hbm4b:s1+s22], $0x80, s25, s22, $0xb8;
	[tilespmem:$0x1BF80] =	vst v63  }
0x5b: {  	_ =	swait.ge [sflag:s28], $0x4000  }
0x5c: {  	[sflag:s28] =	ssyncset.done $0x0  }
0x5d: {  	[sflag:s28] =	ssyncadd.s32 $0xFFFFC000  }
0x5e: {  	[spmem:s2] =	stream.indirect.scatter.add.f32 [tilespmem:s24], [sflag:$0x4], $0x80, s29, s22, $0xb8;
	[tilespmem:$0x1BF80] =	vst v63  }
0x5f: {  	_ =	swait.ge [sflag:s17], $0x4000  }
0x60: {  	[sflag:s17] =	ssyncset.done $0x0  }
0x61: {  	[sflag:s17] =	ssyncadd.s32 $0xFFFFC000  }
0x62: {  	_ =	swait.ge [sflag:s30], $0x4000  }
0x63: {  	[sflag:s30] =	ssyncset.done $0x0  }
0x64: {  	[sflag:s30] =	ssyncadd.s32 $0xFFFFC000  }
0x65: {  	[spmem:s2] =	stream.indirect.scatter.add.f32 [tilespmem:s26], [sflag:$0x4], $0x80, s31, s22, $0xb8;
	[tilespmem:$0x1BF80] =	vst v63  }
0x66: {  	_ =	swait.ge [sflag:s17], $0x4000  }
0x67: {  	[sflag:s17] =	ssyncset.done $0x0  }
0x68: {  	s9 =	sadd.s32 s6, s15;
	[sflag:s17] =	ssyncadd.s32 $0xFFFFC000  }
0x69: {  	[tilespmem:s18], [sflag:$0x1] =	stream.linear.gather [hbm4b:s9+s3], $0x80, $0x38;
	[tilespmem:$0x1BF80] =	vst v63  }
0x6a: {  	s9 =	sadd.s32 s6, s14  }
0x6b: {  	[tilespmem:s19], [sflag:$0x1] =	stream.linear.gather [hbm4b:s9+s3], $0x80, $0x38;
	[tilespmem:$0x1BF80] =	vst v63  }
0x6c: {  	s9 =	sadd.s32 s6, s13;
	s6 =	smov.u32 s8  }
0x6d: {  	[tilespmem:s20], [sflag:$0x1] =	stream.linear.gather [hbm4b:s9+s3], $0x80, $0x38;
	[tilespmem:$0x1BF80] =	vst v63  }
0x6e: {  	_ =	swait.ge [sflag:s21], $0x80  }
0x6f: {  	[sflag:s21] =	ssyncset.done $0x0  }
0x70: {  	[sflag:s21] =	ssyncadd.s32 $0xFFFFFF80  }
0x71: {  	_ =	swait.ge [sflag:s21], $0x80  }
0x72: {  	[sflag:s21] =	ssyncset.done $0x0  }
0x73: {  	[sflag:s21] =	ssyncadd.s32 $0xFFFFFF80  }
0x74: {  	_ =	swait.ge [sflag:s21], $0x80  }
0x75: {  	[sflag:s21] =	ssyncset.done $0x0  }
0x76: {  	[sflag:s21] =	ssyncadd.s32 $0xFFFFFF80  }
0x77: {  	v2 =	vld [tilespmem:$0x13D60]  }
0x78: {  	v3 =	vld [tilespmem:$0x13C60]  }
0x79: {  	v4 =	vld [tilespmem:$0x13C50]  }
0x7a: {  	v5 =	vld [tilespmem:$0x13CE0]  }
0x7b: {  	v6 =	vld [tilespmem:$0x13CD0];
	_ =	sdelay $0x1  }
0x7c: {  	v7 =	vld [tilespmem:$0x13D50];
	v3 =	vmul.u32 $0x2710, v3  }
0x7d: {  	v8 =	vld [tilespmem:$0x13C10];
	v4 =	vmul.u32 $0x2710, v4  }
0x7e: {  	v9 =	vld [tilespmem:$0x13D10];
	v5 =	vadd.s32 v5, v3;
	v2 =	vadd.s32 v3, v2  }
0x7f: {  	v3 =	vld [tilespmem:$0x13C90];
	v6 =	vadd.s32 v6, v4;
	vm0 =	vgt.s32 v5, $0x0;
	vm1 =	vgt.s32 v2, $0x0  }
0x80: {  	v11 =	vsub.s32 v2, v0;
	v10 =	vnsel vm0, $0x0, v5;
	v5 =	vsub.s32 v5, v0  }
0x81: {  	v2 =	vnsel vm1, $0x0, v2;
	[tilespmem:$0x13DE0] =	vst v10;
	v10 =	vmin.u32 v11, $0x2710;
	v5 =	vmin.u32 v5, $0x2710  }
0x82: {  	vm0 =	vgt.s32 v6, $0x0;
	v4 =	vadd.s32 v4, v7;
	v8 =	vmul.u32 $0x2710, v8;
	v11 =	vld [tilespmem:$0x13C40];
	[tilespmem:$0x13EE0] =	vst v10  }
0x83: {  	v10 =	vnsel vm0, $0x0, v6;
	vm0 =	vgt.s32 v4, $0x0;
	v12 =	vsub.s32 v4, v0;
	v7 =	vld [tilespmem:$0x13D40]  }
0x84: {  	v3 =	vadd.s32 v3, v8;
	v8 =	vadd.s32 v8, v9;
	v9 =	vld [tilespmem:$0x13CC0];
	[tilespmem:$0x13DD0] =	vst v10;
	v10 =	vmin.u32 v12, $0x2710  }
0x85: {  	vm1 =	vgt.s32 v3, $0x0;
	vm2 =	vgt.s32 v8, $0x0;
	v12 =	vsub.s32 v8, v0;
	[tilespmem:$0x13ED0] =	vst v10  }
0x86: {  	v10 =	vnsel vm1, $0x0, v3;
	v8 =	vnsel vm2, $0x0, v8;
	v12 =	vmin.u32 v12, $0x2710;
	[tilespmem:$0x13E60] =	vst v2;
	v2 =	vld [tilespmem:$0x13C70]  }
0x87: {  	v4 =	vnsel vm0, $0x0, v4;
	v3 =	vsub.s32 v3, v0;
	[tilespmem:$0x13E90] =	vst v12;
	v11 =	vmul.u32 $0x2710, v11;
	v12 =	vld [tilespmem:$0x13D70]  }
0x88: {  	v3 =	vmin.u32 v3, $0x2710;
	[tilespmem:$0x13E50] =	vst v4;
	v4 =	vsub.s32 v6, v0;
	v6 =	vld [tilespmem:$0x13CF0]  }
0x89: {  	v13 =	vld [tilespmem:$0x13C00];
	v9 =	vadd.s32 v9, v11;
	v7 =	vadd.s32 v11, v7;
	v4 =	vmin.u32 v4, $0x2710;
	[tilespmem:$0x13F60] =	vst v5  }
0x8a: {  	vm0 =	vgt.s32 v9, $0x0;
	vm1 =	vgt.s32 v7, $0x0;
	v5 =	vsub.s32 v7, v0;
	[tilespmem:$0x13F50] =	vst v4  }
0x8b: {  	v4 =	vld [tilespmem:$0x13D00];
	[tilespmem:$0x13E10] =	vst v8;
	v8 =	vnsel vm0, $0x0, v9;
	v9 =	vsub.s32 v9, v0;
	v2 =	vmul.u32 $0x2710, v2  }
0x8c: {  	v5 =	vmin.u32 v5, $0x2710;
	v11 =	vld [tilespmem:$0x13C80];
	[tilespmem:$0x13F10] =	vst v3;
	v3 =	vnsel vm1, $0x0, v7;
	v7 =	vmin.u32 v9, $0x2710  }
0x8d: {  	[tilespmem:$0x13DC0] =	vst v8;
	v6 =	vadd.s32 v6, v2;
	v2 =	vadd.s32 v2, v12  }
0x8e: {  	v8 =	vmul.u32 $0x2710, v13;
	[tilespmem:$0x13D90] =	vst v10;
	v9 =	vld [tilespmem:$0x13C20];
	vm0 =	vgt.s32 v6, $0x0;
	vm1 =	vgt.s32 v2, $0x0  }
0x8f: {  	v12 =	vsub.s32 v2, v0;
	v10 =	vld [tilespmem:$0x13C30];
	[tilespmem:$0x13E40] =	vst v3;
	v3 =	vnsel vm0, $0x0, v6;
	v6 =	vsub.s32 v6, v0  }
0x90: {  	v2 =	vnsel vm1, $0x0, v2;
	v12 =	vmin.u32 v12, $0x2710;
	v13 =	vld [tilespmem:$0x13D20];
	[tilespmem:$0x13EC0] =	vst v5;
	v14 =	vmin.u32 v6, $0x2710  }
0x91: {  	v4 =	vadd.s32 v8, v4;
	v5 =	vadd.s32 v11, v8;
	v8 =	vld [tilespmem:$0x13CA0];
	[tilespmem:$0x13DF0] =	vst v3  }
0x92: {  	vm1 =	vgt.s32 v4, $0x0;
	v3 =	vsub.s32 v4, v0;
	vm0 =	vgt.s32 v5, $0x0;
	v11 =	vld [tilespmem:$0x13CB0];
	[tilespmem:$0x13F40] =	vst v7  }
.Ltmp0:
0x93: {  	v15 =	vnsel vm1, $0x0, v4;
	v4 =	vmin.u32 v3, $0x2710;
	v3 =	vsub.s32 v5, v0;
	v6 =	vld [tilespmem:$0x13D30];
	[tilespmem:$0x13E70] =	vst v2;
	(pc) =	sbr.rel @p1 .LBB2_2-.Ltmp0, $4  }
0x94: {  	v5 =	vnsel vm0, $0x0, v5;
	v2 =	vmin.u32 v3, $0x2710;
	v3 =	vmul.u32 $0x2710, v9;
	[tilespmem:$0x13EF0] =	vst v12  }
0x95: {  	v7 =	vmul.u32 $0x2710, v10;
	[tilespmem:$0x13F70] =	vst v14  }
0x96: {  	[tilespmem:$0x13F00] =	vst v2;
	v8 =	vadd.s32 v8, v3;
	v3 =	vadd.s32 v3, v13  }
0x97: {  	[tilespmem:$0x13E00] =	vst v15;
	vm0 =	vgt.s32 v8, $0x0;
	vm1 =	vgt.s32 v3, $0x0;
	v2 =	vadd.s32 v11, v7  }
0x98: {  	[tilespmem:$0x13E80] =	vst v4  }
0x99: {  	[tilespmem:$0x13D80] =	vst v5;
	v4 =	vnsel vm1, $0x0, v3  }
0x9a: {  	v5 =	vnsel vm0, $0x0, v8;
	v8 =	vsub.s32 v8, v0;
	[tilespmem:$0x13E20] =	vst v4  }
0x9b: {  	v6 =	vadd.s32 v7, v6;
	v3 =	vsub.s32 v3, v0;
	[tilespmem:$0x13DA0] =	vst v5;
	v7 =	vmin.u32 v8, $0x2710  }
0x9c: {  	v4 =	vsub.s32 v2, v0;
	v3 =	vmin.u32 v3, $0x2710;
	[tilespmem:$0x13F20] =	vst v7  }
0x9d: {  	v5 =	vsub.s32 v6, v0;
	v4 =	vmin.u32 v4, $0x2710;
	[tilespmem:$0x13EA0] =	vst v3  }
0x9e: {  	vm0 =	vgt.s32 v6, $0x0;
	[tilespmem:$0x13F30] =	vst v4;
	v4 =	vmin.u32 v5, $0x2710  }
0x9f: {  	v5 =	vnsel vm0, $0x0, v6;
	vm0 =	vgt.s32 v2, $0x0;
	[tilespmem:$0x13EB0] =	vst v4  }
0xa0: {  	[tilespmem:$0x13E30] =	vst v5;
	v2 =	vnsel vm0, $0x0, v2  }
0xa1: {  	[tilespmem:$0x13DB0] =	vst v2  }
0xa2: {  	[tilespmem:s24], [sflag:$0x2] =	stream.indirect.gather [hbm4b:s1+s22], $0x80, s23, s22, $0xb8;
	[tilespmem:$0x1BF80] =	vst v63  }
0xa3: {  	_ = 	snop  }
0xa4: {  	[tilespmem:s26], [sflag:$0x3] =	stream.indirect.gather [hbm4b:s1+s22], $0x80, s25, s22, $0xb8;
	[tilespmem:$0x1BF80] =	vst v63  }
0xa5: {  	_ =	swait.ge [sflag:s28], $0x4000  }
0xa6: {  	[sflag:s28] =	ssyncset.done $0x0  }
0xa7: {  	[sflag:s28] =	ssyncadd.s32 $0xFFFFC000  }
0xa8: {  	[spmem:s2] =	stream.indirect.scatter.add.f32 [tilespmem:s24], [sflag:$0x4], $0x80, s29, s22, $0xb8;
	[tilespmem:$0x1BF80] =	vst v63  }
0xa9: {  	_ =	swait.ge [sflag:s17], $0x4000  }
0xaa: {  	[sflag:s17] =	ssyncset.done $0x0  }
0xab: {  	[sflag:s17] =	ssyncadd.s32 $0xFFFFC000  }
0xac: {  	_ =	swait.ge [sflag:s30], $0x4000  }
0xad: {  	[sflag:s30] =	ssyncset.done $0x0  }
0xae: {  	[sflag:s30] =	ssyncadd.s32 $0xFFFFC000  }
0xaf: {  	[spmem:s2] =	stream.indirect.scatter.add.f32 [tilespmem:s26], [sflag:$0x4], $0x80, s31, s22, $0xb8;
	[tilespmem:$0x1BF80] =	vst v63  }
0xb0: {  	_ =	swait.ge [sflag:s17], $0x4000  }
0xb1: {  	[sflag:s17] =	ssyncset.done $0x0  }
0xb2: {  	s7 =	sadd.s32 s6, s15;
	[sflag:s17] =	ssyncadd.s32 $0xFFFFC000  }
0xb3: {  	[tilespmem:s18], [sflag:$0x1] =	stream.linear.gather [hbm4b:s7+s3], $0x80, $0x38;
	[tilespmem:$0x1BF80] =	vst v63  }
0xb4: {  	s10 =	sadd.s32 s6, s14  }
0xb5: {  	[tilespmem:s19], [sflag:$0x1] =	stream.linear.gather [hbm4b:s10+s3], $0x80, $0x38;
	[tilespmem:$0x1BF80] =	vst v63  }
0xb6: {  	s11 =	sadd.s32 s6, s13  }
0xb7: {  	[tilespmem:s20], [sflag:$0x1] =	stream.linear.gather [hbm4b:s11+s3], $0x80, $0x38;
	[tilespmem:$0x1BF80] =	vst v63  }
0xb8: {  	_ =	swait.ge [sflag:s21], $0x80  }
0xb9: {  	[sflag:s21] =	ssyncset.done $0x0  }
0xba: {  	[sflag:s21] =	ssyncadd.s32 $0xFFFFFF80  }
0xbb: {  	_ =	swait.ge [sflag:s21], $0x80  }
0xbc: {  	[sflag:s21] =	ssyncset.done $0x0  }
0xbd: {  	[sflag:s21] =	ssyncadd.s32 $0xFFFFFF80  }
0xbe: {  	_ =	swait.ge [sflag:s21], $0x80  }
0xbf: {  	[sflag:s21] =	ssyncset.done $0x0  }
0xc0: {  	[sflag:s21] =	ssyncadd.s32 $0xFFFFFF80  }
0xc1: {  	v2 =	vld [tilespmem:$0x13D60]  }
0xc2: {  	v3 =	vld [tilespmem:$0x13C60]  }
0xc3: {  	v5 =	vld [tilespmem:$0x13CE0]  }
0xc4: {  	v8 =	vld [tilespmem:$0x13C10]  }
0xc5: {  	v4 =	vld [tilespmem:$0x13C50]  }
0xc6: {  	v9 =	vld [tilespmem:$0x13D10]  }
0xc7: {  	v6 =	vld [tilespmem:$0x13CD0];
	v3 =	vmul.u32 $0x2710, v3  }
0xc8: {  	v7 =	vld [tilespmem:$0x13D50]  }
0xc9: {  	v8 =	vmul.u32 $0x2710, v8;
	v5 =	vadd.s32 v5, v3  }
0xca: {  	v4 =	vmul.u32 $0x2710, v4;
	v2 =	vadd.s32 v3, v2;
	vm0 =	vgt.s32 v5, $0x0  }
0xcb: {  	v9 =	vadd.s32 v8, v9;
	v3 =	vsub.s32 v2, v0;
	v10 =	vnsel vm0, $0x0, v5  }
0xcc: {  	v6 =	vadd.s32 v6, v4;
	v12 =	vsub.s32 v9, v0;
	v3 =	vmin.u32 v3, $0x2710;
	[tilespmem:$0x13DE0] =	vst v10  }
0xcd: {  	v4 =	vadd.s32 v4, v7;
	v7 =	vld [tilespmem:$0x13C40];
	vm0 =	vgt.s32 v6, $0x0;
	v12 =	vmin.u32 v12, $0x2710;
	[tilespmem:$0x13EE0] =	vst v3  }
0xce: {  	v11 =	vld [tilespmem:$0x13C90];
	v3 =	vnsel vm0, $0x0, v6;
	v10 =	vsub.s32 v4, v0;
	[tilespmem:$0x13E90] =	vst v12  }
0xcf: {  	vm0 =	vgt.s32 v2, $0x0;
	[tilespmem:$0x13DD0] =	vst v3;
	v3 =	vmin.u32 v10, $0x2710;
	v10 =	vld [tilespmem:$0x13CC0]  }
0xd0: {  	v2 =	vnsel vm0, $0x0, v2;
	vm0 =	vgt.s32 v4, $0x0;
	[tilespmem:$0x13ED0] =	vst v3;
	v3 =	vld [tilespmem:$0x13D40]  }
0xd1: {  	[tilespmem:$0x13E60] =	vst v2;
	v2 =	vsub.s32 v5, v0;
	v5 =	vld [tilespmem:$0x13C70];
	v4 =	vnsel vm0, $0x0, v4  }
0xd2: {  	v7 =	vmul.u32 $0x2710, v7;
	v2 =	vmin.u32 v2, $0x2710;
	[tilespmem:$0x13E50] =	vst v4;
	v4 =	vsub.s32 v6, v0  }
0xd3: {  	vm0 =	vgt.s32 v9, $0x0;
	v6 =	vadd.s32 v11, v8;
	v8 =	vld [tilespmem:$0x13CF0];
	v4 =	vmin.u32 v4, $0x2710;
	[tilespmem:$0x13F60] =	vst v2  }
0xd4: {  	v2 =	vnsel vm0, $0x0, v9;
	v9 =	vsub.s32 v6, v0;
	vm0 =	vgt.s32 v6, $0x0;
	[tilespmem:$0x13F50] =	vst v4  }
0xd5: {  	v4 =	vld [tilespmem:$0x13D70];
	v9 =	vmin.u32 v9, $0x2710;
	[tilespmem:$0x13E10] =	vst v2;
	v6 =	vnsel vm0, $0x0, v6;
	v10 =	vadd.s32 v10, v7  }
0xd6: {  	v2 =	vld [tilespmem:$0x13C00];
	[tilespmem:$0x13F10] =	vst v9;
	vm1 =	vgt.s32 v10, $0x0;
	v3 =	vadd.s32 v7, v3;
	v5 =	vmul.u32 $0x2710, v5  }
0xd7: {  	[tilespmem:$0x13D90] =	vst v6;
	v7 =	vnsel vm1, $0x0, v10;
	vm0 =	vgt.s32 v3, $0x0  }
0xd8: {  	v9 =	vld [tilespmem:$0x13C80];
	[tilespmem:$0x13DC0] =	vst v7;
	v7 =	vsub.s32 v3, v0;
	v3 =	vnsel vm0, $0x0, v3;
	v8 =	vadd.s32 v8, v5  }
0xd9: {  	v6 =	vld [tilespmem:$0x13D00];
	v7 =	vmin.u32 v7, $0x2710;
	vm0 =	vgt.s32 v8, $0x0;
	[tilespmem:$0x13E40] =	vst v3  }
0xda: {  	v3 =	vsub.s32 v10, v0;
	v4 =	vadd.s32 v5, v4;
	v5 =	vld [tilespmem:$0x13C20];
	v10 =	vnsel vm0, $0x0, v8;
	[tilespmem:$0x13EC0] =	vst v7  }
0xdb: {  	v11 =	vld [tilespmem:$0x13D20];
	v2 =	vmul.u32 $0x2710, v2;
	v3 =	vmin.u32 v3, $0x2710;
	vm0 =	vgt.s32 v4, $0x0;
	[tilespmem:$0x13DF0] =	vst v10  }
0xdc: {  	v7 =	vld [tilespmem:$0x13C30];
	v10 =	vsub.s32 v4, v0;
	v4 =	vnsel vm0, $0x0, v4;
	[tilespmem:$0x13F40] =	vst v3  }
0xdd: {  	v3 =	vsub.s32 v8, v0;
	v9 =	vadd.s32 v9, v2;
	v8 =	vmin.u32 v10, $0x2710;
	v10 =	vld [tilespmem:$0x13CA0];
	[tilespmem:$0x13E70] =	vst v4  }
0xde: {  	v2 =	vadd.s32 v2, v6;
	v3 =	vmin.u32 v3, $0x2710;
	v4 =	vld [tilespmem:$0x13CB0];
	v6 =	vsub.s32 v9, v0;
	[tilespmem:$0x13EF0] =	vst v8  }
0xdf: {  	vm0 =	vgt.s32 v2, $0x0;
	v6 =	vmin.u32 v6, $0x2710;
	[tilespmem:$0x13F70] =	vst v3;
	v5 =	vmul.u32 $0x2710, v5  }
0xe0: {  	vm1 =	vgt.s32 v9, $0x0;
	v3 =	vsub.s32 v2, v0;
	v2 =	vnsel vm0, $0x0, v2;
	v8 =	vld [tilespmem:$0x13D30];
	[tilespmem:$0x13F00] =	vst v6  }
0xe1: {  	v3 =	vmin.u32 v3, $0x2710;
	[tilespmem:$0x13E00] =	vst v2;
	v6 =	vmul.u32 $0x2710, v7;
	v7 =	vadd.s32 v5, v11  }
0xe2: {  	v2 =	vnsel vm1, $0x0, v9;
	[tilespmem:$0x13E80] =	vst v3;
	v5 =	vadd.s32 v10, v5;
	vm0 =	vgt.s32 v7, $0x0  }
0xe3: {  	[tilespmem:$0x13D80] =	vst v2;
	v3 =	vadd.s32 v4, v6;
	vm1 =	vgt.s32 v5, $0x0;
	v2 =	vnsel vm0, $0x0, v7  }
0xe4: {  	v4 =	vnsel vm1, $0x0, v5;
	[tilespmem:$0x13E20] =	vst v2;
	v2 =	vsub.s32 v3, v0  }
0xe5: {  	v6 =	vadd.s32 v6, v8;
	v5 =	vsub.s32 v5, v0;
	[tilespmem:$0x13DA0] =	vst v4;
	v2 =	vmin.u32 v2, $0x2710  }
0xe6: {  	v4 =	vsub.s32 v6, v0;
	v5 =	vmin.u32 v5, $0x2710;
	[tilespmem:$0x13F30] =	vst v2  }
0xe7: {  	vm0 =	vgt.s32 v6, $0x0;
	v2 =	vmin.u32 v4, $0x2710;
	[tilespmem:$0x13F20] =	vst v5  }
0xe8: {  	v4 =	vsub.s32 v7, v0;
	v5 =	vnsel vm0, $0x0, v6;
	[tilespmem:$0x13EB0] =	vst v2  }
0xe9: {  	vm0 =	vgt.s32 v3, $0x0;
	v2 =	vmin.u32 v4, $0x2710;
	[tilespmem:$0x13E30] =	vst v5  }
0xea: {  	v3 =	vnsel vm0, $0x0, v3;
	[tilespmem:$0x13EA0] =	vst v2  }
0xeb: {  	[tilespmem:$0x13DB0] =	vst v3  }
0xec: {  	[tilespmem:s24], [sflag:$0x2] =	stream.indirect.gather [hbm4b:s1+s22], $0x80, s23, s22, $0xb8;
	[tilespmem:$0x1BF80] =	vst v63  }
0xed: {  	_ = 	snop  }
0xee: {  	[tilespmem:s26], [sflag:$0x3] =	stream.indirect.gather [hbm4b:s1+s22], $0x80, s25, s22, $0xb8;
	[tilespmem:$0x1BF80] =	vst v63  }
0xef: {  	_ =	swait.ge [sflag:s28], $0x4000  }
0xf0: {  	[sflag:s28] =	ssyncset.done $0x0  }
0xf1: {  	[sflag:s28] =	ssyncadd.s32 $0xFFFFC000  }
0xf2: {  	[spmem:s2] =	stream.indirect.scatter.add.f32 [tilespmem:s24], [sflag:$0x4], $0x80, s29, s22, $0xb8;
	[tilespmem:$0x1BF80] =	vst v63  }
0xf3: {  	_ =	swait.ge [sflag:s17], $0x4000  }
0xf4: {  	[sflag:s17] =	ssyncset.done $0x0  }
0xf5: {  	[sflag:s17] =	ssyncadd.s32 $0xFFFFC000  }
0xf6: {  	_ =	swait.ge [sflag:s30], $0x4000  }
0xf7: {  	[sflag:s30] =	ssyncset.done $0x0  }
0xf8: {  	[sflag:s30] =	ssyncadd.s32 $0xFFFFC000  }
0xf9: {  	[spmem:s2] =	stream.indirect.scatter.add.f32 [tilespmem:s26], [sflag:$0x4], $0x80, s31, s22, $0xb8;
	[tilespmem:$0x1BF80] =	vst v63  }
0xfa: {  	_ =	swait.ge [sflag:s17], $0x4000  }
0xfb: {  	[sflag:s17] =	ssyncset.done $0x0  }
0xfc: {  	[sflag:s17] =	ssyncadd.s32 $0xFFFFC000  }
0xfd: {  	[bflag:$0x0] =	sbarrier.arrive $0xFFFF  }
0xfe: {  	s7 =	rddreg [dreg:$0x5]  }
0xff: {  	s8 =	rddreg [dreg:$0x6];
	s6 =	sshrl.u32 s7, $0x3  }
0x100: {  	[hbm:s8], [sflag:s5] =	dma.local [spmem:s6], $0x2700  }
0x101: {  	_ =	swait.ge [sflag:s17], $0x2700  }
0x102: {  	[sflag:s17] =	ssyncset.done $0x0;
	s7 =	rddreg [dreg:$0x7]  }
0x103: {  	s8 =	rddreg [dreg:$0x8];
	[sflag:s17] =	ssyncadd.s32 $0xFFFFD900;
	s7 =	sshrl.u32 @!p0 s7, $0x3  }
0x104: {  	[hbm:s8], [sflag:s5] =	dma.local @!p0 [spmem:s7], $0x100  }
0x105: {  	s8 =	simm.s32 @!p0 $0x4  }
0x106: {  	_ =	swait.ge @!p0 [sflag:s8], $0x100  }
0x107: {  	[sflag:s8] =	ssyncset.done @!p0 $0x0  }
0x108: {  	[sflag:s8] =	ssyncadd.s32 @!p0 $0xFFFFFF00  }
0x109: {  	[bflag:$0x0] =	sbarrier.arrive $0xFFFF  }
0x10a: {  	[spmem:s16], [sflag:s5] =	dma.local [hbm:s4], $0x2780  }
0x10b: {  	_ =	swait.ge [sflag:s17], $0x2780  }
0x10c: {  	[sflag:s17] =	ssyncset.done $0x0  }
0x10d: {  	[sflag:s17] =	ssyncadd.s32 $0xFFFFD880  }
0x10e: {  	s9 =	sadd.s32 $0x0, s15;
	[bflag:$0x0] =	sbarrier.arrive $0xFFFF  }
0x10f: {  	[tilespmem:s18], [sflag:$0x1] =	stream.linear.gather [hbm4b:s9+s3], $0x80, $0x38;
	[tilespmem:$0x1BF80] =	vst v63  }
0x110: {  	s10 =	sadd.s32 $0x0, s14  }
0x111: {  	[tilespmem:s19], [sflag:$0x1] =	stream.linear.gather [hbm4b:s10+s3], $0x80, $0x38;
	[tilespmem:$0x1BF80] =	vst v63  }
0x112: {  	s11 =	sadd.s32 $0x0, s13  }
0x113: {  	[tilespmem:s20], [sflag:$0x1] =	stream.linear.gather [hbm4b:s11+s3], $0x80, $0x38;
	[tilespmem:$0x1BF80] =	vst v63  }
0x114: {  	_ =	swait.ge [sflag:s21], $0x80  }
0x115: {  	[sflag:s21] =	ssyncset.done $0x0  }
0x116: {  	[sflag:s21] =	ssyncadd.s32 $0xFFFFFF80  }
0x117: {  	_ =	swait.ge [sflag:s21], $0x80  }
0x118: {  	[sflag:s21] =	ssyncset.done $0x0  }
0x119: {  	[sflag:s21] =	ssyncadd.s32 $0xFFFFFF80  }
0x11a: {  	_ =	swait.ge [sflag:s21], $0x80  }
0x11b: {  	[sflag:s21] =	ssyncset.done $0x0  }
0x11c: {  	[sflag:s21] =	ssyncadd.s32 $0xFFFFFF80  }
0x11d: {  	v2 =	vld [tilespmem:$0x13D60]  }
0x11e: {  	v3 =	vld [tilespmem:$0x13C60]  }
0x11f: {  	v4 =	vld [tilespmem:$0x13C50]  }
0x120: {  	v5 =	vld [tilespmem:$0x13CE0]  }
0x121: {  	v8 =	vld [tilespmem:$0x13C10]  }
0x122: {  	v6 =	vld [tilespmem:$0x13CD0]  }
0x123: {  	v7 =	vld [tilespmem:$0x13D50];
	v3 =	vmul.u32 $0x2710, v3  }
0x124: {  	v9 =	vld [tilespmem:$0x13D10]  }
0x125: {  	v4 =	vmul.u32 $0x2710, v4;
	v5 =	vadd.s32 v5, v3  }
0x126: {  	v8 =	vmul.u32 $0x2710, v8;
	v2 =	vadd.s32 v3, v2;
	vm0 =	vgt.s32 v5, $0x0  }
0x127: {  	v11 =	vld [tilespmem:$0x13C90];
	v6 =	vadd.s32 v6, v4;
	v3 =	vsub.s32 v2, v1;
	v10 =	vnsel vm0, $0x0, v5  }
0x128: {  	v4 =	vadd.s32 v4, v7;
	v7 =	vld [tilespmem:$0x13C40];
	v3 =	vmin.u32 v3, $0x2710;
	vm0 =	vgt.s32 v6, $0x0;
	[tilespmem:$0x13DE0] =	vst v10  }
0x129: {  	v9 =	vadd.s32 v8, v9;
	[tilespmem:$0x13EE0] =	vst v3;
	v3 =	vnsel vm0, $0x0, v6;
	v10 =	vsub.s32 v4, v1  }
0x12a: {  	v60 =	vsub.s32 v9, v1;
	vm0 =	vgt.s32 v2, $0x0;
	[tilespmem:$0x13DD0] =	vst v3;
	v3 =	vmin.u32 v10, $0x2710;
	v10 =	vld [tilespmem:$0x13CC0]  }
0x12b: {  	v2 =	vnsel vm0, $0x0, v2;
	vm0 =	vgt.s32 v4, $0x0;
	[tilespmem:$0x13ED0] =	vst v3;
	v3 =	vsub.s32 v5, v1;
	v5 =	vld [tilespmem:$0x13D40]  }
0x12c: {  	[tilespmem:$0x13E60] =	vst v2;
	v4 =	vnsel vm0, $0x0, v4;
	v2 =	vmin.u32 v3, $0x2710;
	v3 =	vadd.s32 v11, v8;
	v8 =	vld [tilespmem:$0x13C70]  }
0x12d: {  	v61 =	vld [tilespmem:$0x13CF0];
	vm1 =	vgt.s32 v9, $0x0;
	v7 =	vmul.u32 $0x2710, v7;
	[tilespmem:$0x13E50] =	vst v4;
	v4 =	vsub.s32 v6, v1  }
0x12e: {  	v11 =	vld [tilespmem:$0x13D70];
	vm0 =	vgt.s32 v3, $0x0;
	v4 =	vmin.u32 v4, $0x2710;
	[tilespmem:$0x13F60] =	vst v2;
	v2 =	vnsel vm1, $0x0, v9  }
0x12f: {  	v9 =	vld [tilespmem:$0x13C00];
	v6 =	vnsel vm0, $0x0, v3;
	v3 =	vsub.s32 v3, v1;
	[tilespmem:$0x13F50] =	vst v4;
	v10 =	vadd.s32 v10, v7  }
0x130: {  	v13 =	vld [tilespmem:$0x13D20];
	[tilespmem:$0x13E10] =	vst v2;
	v3 =	vmin.u32 v3, $0x2710;
	v4 =	vadd.s32 v7, v5;
	vm0 =	vgt.s32 v10, $0x0  }
0x131: {  	[tilespmem:$0x13D90] =	vst v6;
	v5 =	vnsel vm0, $0x0, v10;
	v7 =	vmul.u32 $0x2710, v8;
	v8 =	vsub.s32 v10, v1;
	v10 =	vld [tilespmem:$0x13C80]  }
0x132: {  	v6 =	vld [tilespmem:$0x13C20];
	[tilespmem:$0x13F10] =	vst v3;
	vm1 =	vgt.s32 v4, $0x0;
	v3 =	vsub.s32 v4, v1  }
0x133: {  	v2 =	vld [tilespmem:$0x13D00];
	v4 =	vnsel vm1, $0x0, v4;
	[tilespmem:$0x13DC0] =	vst v5;
	v3 =	vmin.u32 v3, $0x2710;
	v5 =	vmin.u32 v8, $0x2710  }
0x134: {  	v63 =	vld [tilespmem:$0x13CA0];
	v9 =	vmul.u32 $0x2710, v9;
	v8 =	vadd.s32 v61, v7;
	v7 =	vadd.s32 v7, v11;
	[tilespmem:$0x13E40] =	vst v4  }
0x135: {  	[tilespmem:$0x13EC0] =	vst v3;
	vm0 =	vgt.s32 v8, $0x0;
	v62 =	vsub.s32 v7, v1;
	v3 =	vsub.s32 v8, v1  }
0x136: {  	v11 =	vld [tilespmem:$0x13C30];
	[tilespmem:$0x13F40] =	vst v5;
	v4 =	vnsel vm0, $0x0, v8;
	v8 =	vmin.u32 v62, $0x2710;
	v10 =	vadd.s32 v10, v9  }
0x137: {  	v6 =	vmul.u32 $0x2710, v6;
	v3 =	vmin.u32 v3, $0x2710;
	[tilespmem:$0x13EF0] =	vst v8;
	v5 =	vsub.s32 v10, v1  }
0x138: {  	v2 =	vadd.s32 v9, v2;
	v9 =	vld [tilespmem:$0x13CB0];
	[tilespmem:$0x13F70] =	vst v3;
	v8 =	vmin.u32 v5, $0x2710  }
0x139: {  	vm1 =	vgt.s32 v7, $0x0;
	v3 =	vadd.s32 v6, v13;
	[tilespmem:$0x13F00] =	vst v8;
	v8 =	vadd.s32 v63, v6;
	v6 =	vld [tilespmem:$0x13D30]  }
0x13a: {  	v12 =	vmin.u32 v60, $0x2710;
	v7 =	vnsel vm1, $0x0, v7;
	vm1 =	vgt.s32 v2, $0x0;
	[tilespmem:$0x13DF0] =	vst v4  }
0x13b: {  	v4 =	vsub.s32 v2, v1;
	[tilespmem:$0x13E70] =	vst v7;
	v2 =	vnsel vm1, $0x0, v2;
	v7 =	vmul.u32 $0x2710, v11  }
0x13c: {  	[tilespmem:$0x13E90] =	vst v12;
	vm0 =	vgt.s32 v10, $0x0;
	v4 =	vmin.u32 v4, $0x2710;
	vm1 =	vgt.s32 v3, $0x0  }
0x13d: {  	s8 =	simm.s32 $0x10;
	s9 =	simm.s32 $0x20;
	[tilespmem:$0x13E00] =	vst v2;
	v5 =	vnsel vm0, $0x0, v10;
	vm0 =	vgt.s32 v8, $0x0;
	v2 =	vadd.s32 v9, v7  }
.LBB2_4:
0x13e: {  	p1 =	sne.s32 s9, $0xF40;
	[tilespmem:$0x13E80] =	vst v4;
	v4 =	vsub.s32 v3, v1;
	v9 =	vsub.s32 v8, v1;
	v6 =	vadd.s32 v7, v6;
	s10 =	smov.u32 s9;
	s9 =	sadd.s32 $0x10, s9  }
0x13f: {  	v3 =	vnsel vm1, $0x0, v3;
	[tilespmem:$0x13D80] =	vst v5;
	v5 =	vnsel vm0, $0x0, v8;
	v7 =	vsub.s32 v6, v1  }
0x140: {  	vm0 =	vgt.s32 v2, $0x0;
	vm1 =	vgt.s32 v6, $0x0;
	[tilespmem:$0x13E20] =	vst v3;
	v3 =	vsub.s32 v2, v1  }
0x141: {  	v2 =	vnsel vm0, $0x0, v2;
	[tilespmem:$0x13DA0] =	vst v5;
	v5 =	vnsel vm1, $0x0, v6;
	v3 =	vmin.u32 v3, $0x2710  }
0x142: {  	v4 =	vmin.u32 v4, $0x2710;
	v7 =	vmin.u32 v7, $0x2710;
	v6 =	vmin.u32 v9, $0x2710;
	[tilespmem:$0x13F30] =	vst v3  }
0x143: {  	[tilespmem:$0x13F20] =	vst v6  }
0x144: {  	[tilespmem:$0x13EB0] =	vst v7  }
0x145: {  	[tilespmem:$0x13E30] =	vst v5  }
0x146: {  	[tilespmem:$0x13EA0] =	vst v4  }
0x147: {  	[tilespmem:$0x13DB0] =	vst v2  }
0x148: {  	[tilespmem:s24], [sflag:$0x2] =	stream.indirect.gather [hbm4b:s1+s22], $0x80, s23, s22, $0xb8;
	[tilespmem:$0x1BF80] =	vst v63  }
0x149: {  	_ = 	snop  }
0x14a: {  	[tilespmem:s26], [sflag:$0x3] =	stream.indirect.gather [hbm4b:s1+s22], $0x80, s25, s22, $0xb8;
	[tilespmem:$0x1BF80] =	vst v63  }
0x14b: {  	_ =	swait.ge [sflag:s28], $0x4000  }
0x14c: {  	[sflag:s28] =	ssyncset.done $0x0  }
0x14d: {  	[sflag:s28] =	ssyncadd.s32 $0xFFFFC000  }
0x14e: {  	[spmem:s2] =	stream.indirect.scatter.add.f32 [tilespmem:s24], [sflag:$0x4], $0x80, s29, s22, $0xb8;
	[tilespmem:$0x1BF80] =	vst v63  }
0x14f: {  	_ =	swait.ge [sflag:s17], $0x4000  }
0x150: {  	[sflag:s17] =	ssyncset.done $0x0  }
0x151: {  	[sflag:s17] =	ssyncadd.s32 $0xFFFFC000  }
0x152: {  	_ =	swait.ge [sflag:s30], $0x4000  }
0x153: {  	[sflag:s30] =	ssyncset.done $0x0  }
0x154: {  	[sflag:s30] =	ssyncadd.s32 $0xFFFFC000  }
0x155: {  	[spmem:s2] =	stream.indirect.scatter.add.f32 [tilespmem:s26], [sflag:$0x4], $0x80, s31, s22, $0xb8;
	[tilespmem:$0x1BF80] =	vst v63  }
0x156: {  	_ =	swait.ge [sflag:s17], $0x4000  }
0x157: {  	[sflag:s17] =	ssyncset.done $0x0  }
0x158: {  	s11 =	sadd.s32 s8, s15;
	[sflag:s17] =	ssyncadd.s32 $0xFFFFC000  }
0x159: {  	[tilespmem:s18], [sflag:$0x1] =	stream.linear.gather [hbm4b:s11+s3], $0x80, $0x38;
	[tilespmem:$0x1BF80] =	vst v63  }
0x15a: {  	s11 =	sadd.s32 s8, s14  }
0x15b: {  	[tilespmem:s19], [sflag:$0x1] =	stream.linear.gather [hbm4b:s11+s3], $0x80, $0x38;
	[tilespmem:$0x1BF80] =	vst v63  }
0x15c: {  	s11 =	sadd.s32 s8, s13;
	s8 =	smov.u32 s10  }
0x15d: {  	[tilespmem:s20], [sflag:$0x1] =	stream.linear.gather [hbm4b:s11+s3], $0x80, $0x38;
	[tilespmem:$0x1BF80] =	vst v63  }
0x15e: {  	_ =	swait.ge [sflag:s21], $0x80  }
0x15f: {  	[sflag:s21] =	ssyncset.done $0x0  }
0x160: {  	[sflag:s21] =	ssyncadd.s32 $0xFFFFFF80  }
0x161: {  	_ =	swait.ge [sflag:s21], $0x80  }
0x162: {  	[sflag:s21] =	ssyncset.done $0x0  }
0x163: {  	[sflag:s21] =	ssyncadd.s32 $0xFFFFFF80  }
0x164: {  	_ =	swait.ge [sflag:s21], $0x80  }
0x165: {  	[sflag:s21] =	ssyncset.done $0x0  }
0x166: {  	[sflag:s21] =	ssyncadd.s32 $0xFFFFFF80  }
0x167: {  	v2 =	vld [tilespmem:$0x13D60]  }
0x168: {  	v3 =	vld [tilespmem:$0x13C60]  }
0x169: {  	v4 =	vld [tilespmem:$0x13C50]  }
0x16a: {  	v5 =	vld [tilespmem:$0x13CE0]  }
0x16b: {  	v6 =	vld [tilespmem:$0x13CD0];
	_ =	sdelay $0x1  }
0x16c: {  	v7 =	vld [tilespmem:$0x13D50];
	v3 =	vmul.u32 $0x2710, v3  }
0x16d: {  	v8 =	vld [tilespmem:$0x13C10];
	v4 =	vmul.u32 $0x2710, v4  }
0x16e: {  	v9 =	vld [tilespmem:$0x13D10];
	v5 =	vadd.s32 v5, v3;
	v2 =	vadd.s32 v3, v2  }
0x16f: {  	v3 =	vld [tilespmem:$0x13C90];
	v6 =	vadd.s32 v6, v4;
	vm0 =	vgt.s32 v5, $0x0;
	vm1 =	vgt.s32 v2, $0x0  }
0x170: {  	v11 =	vsub.s32 v2, v1;
	v10 =	vnsel vm0, $0x0, v5;
	v5 =	vsub.s32 v5, v1  }
0x171: {  	v2 =	vnsel vm1, $0x0, v2;
	[tilespmem:$0x13DE0] =	vst v10;
	v10 =	vmin.u32 v11, $0x2710;
	v5 =	vmin.u32 v5, $0x2710  }
0x172: {  	vm0 =	vgt.s32 v6, $0x0;
	v4 =	vadd.s32 v4, v7;
	v8 =	vmul.u32 $0x2710, v8;
	v11 =	vld [tilespmem:$0x13C40];
	[tilespmem:$0x13EE0] =	vst v10  }
0x173: {  	v10 =	vnsel vm0, $0x0, v6;
	vm0 =	vgt.s32 v4, $0x0;
	v12 =	vsub.s32 v4, v1;
	v7 =	vld [tilespmem:$0x13D40]  }
0x174: {  	v3 =	vadd.s32 v3, v8;
	v8 =	vadd.s32 v8, v9;
	v9 =	vld [tilespmem:$0x13CC0];
	[tilespmem:$0x13DD0] =	vst v10;
	v10 =	vmin.u32 v12, $0x2710  }
0x175: {  	vm1 =	vgt.s32 v3, $0x0;
	vm2 =	vgt.s32 v8, $0x0;
	v12 =	vsub.s32 v8, v1;
	[tilespmem:$0x13ED0] =	vst v10  }
0x176: {  	v10 =	vnsel vm1, $0x0, v3;
	v8 =	vnsel vm2, $0x0, v8;
	v12 =	vmin.u32 v12, $0x2710;
	[tilespmem:$0x13E60] =	vst v2;
	v2 =	vld [tilespmem:$0x13C70]  }
0x177: {  	v4 =	vnsel vm0, $0x0, v4;
	v3 =	vsub.s32 v3, v1;
	[tilespmem:$0x13E90] =	vst v12;
	v11 =	vmul.u32 $0x2710, v11;
	v12 =	vld [tilespmem:$0x13D70]  }
0x178: {  	v3 =	vmin.u32 v3, $0x2710;
	[tilespmem:$0x13E50] =	vst v4;
	v4 =	vsub.s32 v6, v1;
	v6 =	vld [tilespmem:$0x13CF0]  }
0x179: {  	v13 =	vld [tilespmem:$0x13C00];
	v9 =	vadd.s32 v9, v11;
	v7 =	vadd.s32 v11, v7;
	v4 =	vmin.u32 v4, $0x2710;
	[tilespmem:$0x13F60] =	vst v5  }
0x17a: {  	vm0 =	vgt.s32 v9, $0x0;
	vm1 =	vgt.s32 v7, $0x0;
	v5 =	vsub.s32 v7, v1;
	[tilespmem:$0x13F50] =	vst v4  }
0x17b: {  	v4 =	vld [tilespmem:$0x13D00];
	[tilespmem:$0x13E10] =	vst v8;
	v8 =	vnsel vm0, $0x0, v9;
	v9 =	vsub.s32 v9, v1;
	v2 =	vmul.u32 $0x2710, v2  }
0x17c: {  	v5 =	vmin.u32 v5, $0x2710;
	v11 =	vld [tilespmem:$0x13C80];
	[tilespmem:$0x13F10] =	vst v3;
	v3 =	vnsel vm1, $0x0, v7;
	v7 =	vmin.u32 v9, $0x2710  }
0x17d: {  	[tilespmem:$0x13DC0] =	vst v8;
	v6 =	vadd.s32 v6, v2;
	v2 =	vadd.s32 v2, v12  }
0x17e: {  	v8 =	vmul.u32 $0x2710, v13;
	[tilespmem:$0x13D90] =	vst v10;
	v9 =	vld [tilespmem:$0x13C20];
	vm0 =	vgt.s32 v6, $0x0;
	vm1 =	vgt.s32 v2, $0x0  }
0x17f: {  	v12 =	vsub.s32 v2, v1;
	v10 =	vld [tilespmem:$0x13C30];
	[tilespmem:$0x13E40] =	vst v3;
	v3 =	vnsel vm0, $0x0, v6;
	v6 =	vsub.s32 v6, v1  }
0x180: {  	v2 =	vnsel vm1, $0x0, v2;
	v12 =	vmin.u32 v12, $0x2710;
	v13 =	vld [tilespmem:$0x13D20];
	[tilespmem:$0x13EC0] =	vst v5;
	v14 =	vmin.u32 v6, $0x2710  }
0x181: {  	v4 =	vadd.s32 v8, v4;
	v5 =	vadd.s32 v11, v8;
	v8 =	vld [tilespmem:$0x13CA0];
	[tilespmem:$0x13DF0] =	vst v3  }
0x182: {  	vm1 =	vgt.s32 v4, $0x0;
	v3 =	vsub.s32 v4, v1;
	vm0 =	vgt.s32 v5, $0x0;
	v11 =	vld [tilespmem:$0x13CB0];
	[tilespmem:$0x13F40] =	vst v7  }
.Ltmp1:
0x183: {  	v15 =	vnsel vm1, $0x0, v4;
	v4 =	vmin.u32 v3, $0x2710;
	v3 =	vsub.s32 v5, v1;
	v6 =	vld [tilespmem:$0x13D30];
	[tilespmem:$0x13E70] =	vst v2;
	(pc) =	sbr.rel @p1 .LBB2_4-.Ltmp1, $4  }
0x184: {  	v5 =	vnsel vm0, $0x0, v5;
	v2 =	vmin.u32 v3, $0x2710;
	v3 =	vmul.u32 $0x2710, v9;
	[tilespmem:$0x13EF0] =	vst v12  }
0x185: {  	v7 =	vmul.u32 $0x2710, v10;
	[tilespmem:$0x13F70] =	vst v14  }
0x186: {  	[tilespmem:$0x13F00] =	vst v2;
	v8 =	vadd.s32 v8, v3;
	v3 =	vadd.s32 v3, v13  }
0x187: {  	[tilespmem:$0x13E00] =	vst v15;
	vm0 =	vgt.s32 v8, $0x0;
	vm1 =	vgt.s32 v3, $0x0;
	v2 =	vadd.s32 v11, v7  }
0x188: {  	[tilespmem:$0x13E80] =	vst v4  }
0x189: {  	[tilespmem:$0x13D80] =	vst v5;
	v22 =	vnsel vm1, $0x0, v3  }
0x18a: {  	v23 =	vnsel vm0, $0x0, v8;
	v24 =	vsub.s32 v2, v1;
	[tilespmem:$0x13E20] =	vst v22  }
0x18b: {  	v25 =	vsub.s32 v8, v1;
	[tilespmem:$0x13DA0] =	vst v23;
	v4 =	vmin.u32 v24, $0x2710  }
0x18c: {  	v3 =	vsub.s32 v3, v1;
	v27 =	vmin.u32 v25, $0x2710;
	[tilespmem:$0x13F30] =	vst v4  }
0x18d: {  	v6 =	vadd.s32 v7, v6;
	vm11 =	vgt.s32 v2, $0x0;
	v3 =	vmin.u32 v3, $0x2710;
	[tilespmem:$0x13F20] =	vst v27  }
0x18e: {  	v26 =	vsub.s32 v6, v1;
	v2 =	vnsel vm11, $0x0, v2;
	[tilespmem:$0x13EA0] =	vst v3  }
0x18f: {  	vm10 =	vgt.s32 v6, $0x0;
	v28 =	vmin.u32 v26, $0x2710;
	[tilespmem:$0x13DB0] =	vst v2  }
0x190: {  	v29 =	vnsel vm10, $0x0, v6;
	[tilespmem:$0x13EB0] =	vst v28  }
0x191: {  	[tilespmem:$0x13E30] =	vst v29  }
0x192: {  	[tilespmem:s24], [sflag:$0x2] =	stream.indirect.gather [hbm4b:s1+s22], $0x80, s23, s22, $0xb8;
	[tilespmem:$0x1BF80] =	vst v63  }
0x193: {  	_ = 	snop  }
0x194: {  	[tilespmem:s26], [sflag:$0x3] =	stream.indirect.gather [hbm4b:s1+s22], $0x80, s25, s22, $0xb8;
	[tilespmem:$0x1BF80] =	vst v63  }
0x195: {  	_ =	swait.ge [sflag:s28], $0x4000  }
0x196: {  	[sflag:s28] =	ssyncset.done $0x0  }
0x197: {  	[sflag:s28] =	ssyncadd.s32 $0xFFFFC000  }
0x198: {  	[spmem:s2] =	stream.indirect.scatter.add.f32 [tilespmem:s24], [sflag:$0x4], $0x80, s29, s22, $0xb8;
	[tilespmem:$0x1BF80] =	vst v63  }
0x199: {  	_ =	swait.ge [sflag:s17], $0x4000  }
0x19a: {  	[sflag:s17] =	ssyncset.done $0x0  }
0x19b: {  	[sflag:s17] =	ssyncadd.s32 $0xFFFFC000  }
0x19c: {  	_ =	swait.ge [sflag:s30], $0x4000  }
0x19d: {  	[sflag:s30] =	ssyncset.done $0x0  }
0x19e: {  	[sflag:s30] =	ssyncadd.s32 $0xFFFFC000  }
0x19f: {  	[spmem:s2] =	stream.indirect.scatter.add.f32 [tilespmem:s26], [sflag:$0x4], $0x80, s31, s22, $0xb8;
	[tilespmem:$0x1BF80] =	vst v63  }
0x1a0: {  	_ =	swait.ge [sflag:s17], $0x4000  }
0x1a1: {  	[sflag:s17] =	ssyncset.done $0x0  }
0x1a2: {  	s9 =	sadd.s32 s8, s15;
	[sflag:s17] =	ssyncadd.s32 $0xFFFFC000  }
0x1a3: {  	[tilespmem:s18], [sflag:$0x1] =	stream.linear.gather [hbm4b:s9+s3], $0x80, $0x38;
	[tilespmem:$0x1BF80] =	vst v63  }
0x1a4: {  	s11 =	sadd.s32 s8, s14  }
0x1a5: {  	[tilespmem:s19], [sflag:$0x1] =	stream.linear.gather [hbm4b:s11+s3], $0x80, $0x38;
	[tilespmem:$0x1BF80] =	vst v63  }
0x1a6: {  	s10 =	sadd.s32 s8, s13  }
0x1a7: {  	[tilespmem:s20], [sflag:$0x1] =	stream.linear.gather [hbm4b:s10+s3], $0x80, $0x38;
	[tilespmem:$0x1BF80] =	vst v63  }
0x1a8: {  	_ =	swait.ge [sflag:s21], $0x80  }
0x1a9: {  	[sflag:s21] =	ssyncset.done $0x0  }
0x1aa: {  	[sflag:s21] =	ssyncadd.s32 $0xFFFFFF80  }
0x1ab: {  	_ =	swait.ge [sflag:s21], $0x80  }
0x1ac: {  	[sflag:s21] =	ssyncset.done $0x0  }
0x1ad: {  	[sflag:s21] =	ssyncadd.s32 $0xFFFFFF80  }
0x1ae: {  	_ =	swait.ge [sflag:s21], $0x80  }
0x1af: {  	[sflag:s21] =	ssyncset.done $0x0  }
0x1b0: {  	[sflag:s21] =	ssyncadd.s32 $0xFFFFFF80  }
0x1b1: {  	v2 =	vld [tilespmem:$0x13D60]  }
0x1b2: {  	v3 =	vld [tilespmem:$0x13C60]  }
0x1b3: {  	v30 =	vld [tilespmem:$0x13C50]  }
0x1b4: {  	v31 =	vld [tilespmem:$0x13CE0]  }
0x1b5: {  	v34 =	vld [tilespmem:$0x13C10]  }
0x1b6: {  	v32 =	vld [tilespmem:$0x13CD0]  }
0x1b7: {  	v9 =	vld [tilespmem:$0x13D10];
	v3 =	vmul.u32 $0x2710, v3  }
0x1b8: {  	v33 =	vld [tilespmem:$0x13D50]  }
0x1b9: {  	v4 =	vmul.u32 $0x2710, v30;
	v5 =	vadd.s32 v31, v3  }
0x1ba: {  	v8 =	vmul.u32 $0x2710, v34;
	v2 =	vadd.s32 v3, v2;
	vm12 =	vgt.s32 v5, $0x0  }
0x1bb: {  	v11 =	vld [tilespmem:$0x13C90];
	v6 =	vadd.s32 v32, v4;
	v3 =	vsub.s32 v2, v1;
	v10 =	vnsel vm12, $0x0, v5  }
0x1bc: {  	v9 =	vadd.s32 v8, v9;
	vm14 =	vgt.s32 v2, $0x0;
	v3 =	vmin.u32 v3, $0x2710;
	[tilespmem:$0x13DE0] =	vst v10  }
0x1bd: {  	v35 =	vld [tilespmem:$0x13C40];
	v4 =	vadd.s32 v4, v33;
	v12 =	vsub.s32 v9, v1;
	v2 =	vnsel vm14, $0x0, v2;
	[tilespmem:$0x13EE0] =	vst v3  }
0x1be: {  	v37 =	vld [tilespmem:$0x13CC0];
	vm15 =	vgt.s32 v4, $0x0;
	v12 =	vmin.u32 v12, $0x2710;
	[tilespmem:$0x13E60] =	vst v2  }
0x1bf: {  	v38 =	vld [tilespmem:$0x13C70];
	vm13 =	vgt.s32 v6, $0x0;
	v36 =	vsub.s32 v4, v1;
	v4 =	vnsel vm15, $0x0, v4;
	[tilespmem:$0x13E90] =	vst v12  }
0x1c0: {  	v41 =	vld [tilespmem:$0x13CF0];
	v40 =	vadd.s32 v11, v8;
	v39 =	vsub.s32 v6, v1;
	v3 =	vnsel vm13, $0x0, v6;
	[tilespmem:$0x13E50] =	vst v4  }
0x1c1: {  	v43 =	vld [tilespmem:$0x13D70];
	vm5 =	vgt.s32 v40, $0x0;
	v4 =	vmin.u32 v39, $0x2710;
	[tilespmem:$0x13DD0] =	vst v3  }
0x1c2: {  	v48 =	vld [tilespmem:$0x13C20];
	v7 =	vmul.u32 $0x2710, v35;
	v6 =	vnsel vm5, $0x0, v40;
	[tilespmem:$0x13F50] =	vst v4  }
0x1c3: {  	v52 =	vld [tilespmem:$0x13D20];
	vm4 =	vgt.s32 v9, $0x0;
	v2 =	vsub.s32 v5, v1;
	v3 =	vmin.u32 v36, $0x2710;
	[tilespmem:$0x13D90] =	vst v6  }
0x1c4: {  	v54 =	vld [tilespmem:$0x13CA0];
	v10 =	vadd.s32 v37, v7;
	v5 =	vmul.u32 $0x2710, v38;
	v2 =	vmin.u32 v2, $0x2710;
	[tilespmem:$0x13ED0] =	vst v3  }
0x1c5: {  	v42 =	vsub.s32 v40, v1;
	vm6 =	vgt.s32 v10, $0x0;
	[tilespmem:$0x13F60] =	vst v2;
	v2 =	vnsel vm4, $0x0, v9  }
0x1c6: {  	v3 =	vld [tilespmem:$0x13D40];
	v9 =	vmin.u32 v42, $0x2710;
	v44 =	vnsel vm6, $0x0, v10;
	v8 =	vadd.s32 v41, v5;
	[tilespmem:$0x13E10] =	vst v2  }
0x1c7: {  	v4 =	vadd.s32 v5, v43;
	v5 =	vmul.u32 $0x2710, v48;
	v2 =	vld [tilespmem:$0x13C00];
	[tilespmem:$0x13F10] =	vst v9;
	vm8 =	vgt.s32 v8, $0x0  }
0x1c8: {  	[tilespmem:$0x13DC0] =	vst v44;
	vm9 =	vgt.s32 v4, $0x0;
	v51 =	vsub.s32 v4, v1;
	v49 =	vnsel vm8, $0x0, v8  }
0x1c9: {  	v46 =	vld [tilespmem:$0x13C80];
	v4 =	vnsel vm9, $0x0, v4;
	v59 =	vadd.s32 v5, v52;
	v5 =	vadd.s32 v54, v5;
	[tilespmem:$0x13DF0] =	vst v49  }
0x1ca: {  	v53 =	vmin.u32 v51, $0x2710;
	[tilespmem:$0x13E70] =	vst v4;
	vm13 =	vgt.s32 v5, $0x0  }
0x1cb: {  	v47 =	vld [tilespmem:$0x13D00];
	[tilespmem:$0x13EF0] =	vst v53;
	v60 =	vnsel vm13, $0x0, v5;
	v5 =	vsub.s32 v5, v1;
	v3 =	vadd.s32 v7, v3  }
0x1cc: {  	[tilespmem:$0x13DA0] =	vst v60;
	v5 =	vmin.u32 v5, $0x2710;
	vm7 =	vgt.s32 v3, $0x0;
	v2 =	vmul.u32 $0x2710, v2  }
0x1cd: {  	v50 =	vld [tilespmem:$0x13C30];
	v45 =	vsub.s32 v3, v1;
	[tilespmem:$0x13F20] =	vst v5;
	v3 =	vnsel vm7, $0x0, v3  }
0x1ce: {  	v7 =	vmin.u32 v45, $0x2710;
	[tilespmem:$0x13E40] =	vst v3;
	v3 =	vsub.s32 v10, v1;
	v9 =	vadd.s32 v46, v2  }
0x1cf: {  	v57 =	vld [tilespmem:$0x13D30];
	[tilespmem:$0x13EC0] =	vst v7;
	v3 =	vmin.u32 v3, $0x2710;
	v56 =	vsub.s32 v9, v1  }
0x1d0: {  	v55 =	vld [tilespmem:$0x13CB0];
	v2 =	vadd.s32 v2, v47;
	[tilespmem:$0x13F40] =	vst v3;
	v3 =	vsub.s32 v8, v1;
	v6 =	vmin.u32 v56, $0x2710  }
0x1d1: {  	vm10 =	vgt.s32 v2, $0x0;
	v3 =	vmin.u32 v3, $0x2710;
	[tilespmem:$0x13F00] =	vst v6  }
0x1d2: {  	v58 =	vmul.u32 $0x2710, v50;
	[tilespmem:$0x13F70] =	vst v3;
	v3 =	vsub.s32 v2, v1;
	v2 =	vnsel vm10, $0x0, v2  }
0x1d3: {  	vm11 =	vgt.s32 v9, $0x0;
	v3 =	vmin.u32 v3, $0x2710;
	[tilespmem:$0x13E00] =	vst v2  }
0x1d4: {  	vm12 =	vgt.s32 v59, $0x0;
	v6 =	vadd.s32 v58, v57;
	v2 =	vnsel vm11, $0x0, v9;
	[tilespmem:$0x13E80] =	vst v3  }
0x1d5: {  	vm14 =	vgt.s32 v6, $0x0;
	v3 =	vadd.s32 v55, v58;
	[tilespmem:$0x13D80] =	vst v2;
	v2 =	vnsel vm12, $0x0, v59  }
0x1d6: {  	v63 =	vnsel vm14, $0x0, v6;
	[tilespmem:$0x13E20] =	vst v2;
	v2 =	vsub.s32 v3, v1  }
0x1d7: {  	[tilespmem:$0x13E30] =	vst v63;
	vm15 =	vgt.s32 v3, $0x0;
	v2 =	vmin.u32 v2, $0x2710  }
0x1d8: {  	v61 =	vsub.s32 v6, v1;
	v3 =	vnsel vm15, $0x0, v3;
	[tilespmem:$0x13F30] =	vst v2  }
0x1d9: {  	v62 =	vsub.s32 v59, v1;
	v2 =	vmin.u32 v61, $0x2710;
	[tilespmem:$0x13DB0] =	vst v3  }
0x1da: {  	[tilespmem:$0x13EB0] =	vst v2;
	v2 =	vmin.u32 v62, $0x2710  }
0x1db: {  	[tilespmem:$0x13EA0] =	vst v2  }
0x1dc: {  	[tilespmem:s24], [sflag:$0x2] =	stream.indirect.gather [hbm4b:s1+s22], $0x80, s23, s22, $0xb8;
	[tilespmem:$0x1BF80] =	vst v63  }
0x1dd: {  	_ = 	snop  }
0x1de: {  	[tilespmem:s26], [sflag:$0x3] =	stream.indirect.gather [hbm4b:s1+s22], $0x80, s25, s22, $0xb8;
	[tilespmem:$0x1BF80] =	vst v63  }
0x1df: {  	_ =	swait.ge [sflag:s28], $0x4000  }
0x1e0: {  	[sflag:s28] =	ssyncset.done $0x0  }
0x1e1: {  	[sflag:s28] =	ssyncadd.s32 $0xFFFFC000  }
0x1e2: {  	[spmem:s2] =	stream.indirect.scatter.add.f32 [tilespmem:s24], [sflag:$0x4], $0x80, s29, s22, $0xb8;
	[tilespmem:$0x1BF80] =	vst v63  }
0x1e3: {  	_ =	swait.ge [sflag:s17], $0x4000  }
0x1e4: {  	[sflag:s17] =	ssyncset.done $0x0  }
0x1e5: {  	[sflag:s17] =	ssyncadd.s32 $0xFFFFC000  }
0x1e6: {  	_ =	swait.ge [sflag:s30], $0x4000  }
0x1e7: {  	[sflag:s30] =	ssyncset.done $0x0  }
0x1e8: {  	[sflag:s30] =	ssyncadd.s32 $0xFFFFC000  }
0x1e9: {  	[spmem:s2] =	stream.indirect.scatter.add.f32 [tilespmem:s26], [sflag:$0x4], $0x80, s31, s22, $0xb8;
	[tilespmem:$0x1BF80] =	vst v63  }
0x1ea: {  	_ =	swait.ge [sflag:s17], $0x4000  }
0x1eb: {  	[sflag:s17] =	ssyncset.done $0x0  }
0x1ec: {  	[sflag:s17] =	ssyncadd.s32 $0xFFFFC000  }
0x1ed: {  	[bflag:$0x0] =	sbarrier.arrive $0xFFFF  }
0x1ee: {  	s11 =	rddreg [dreg:$0x9]  }
0x1ef: {  	[hbm:s11], [sflag:s5] =	dma.local [spmem:s6], $0x2700  }
0x1f0: {  	_ =	swait.ge [sflag:s17], $0x2700  }
0x1f1: {  	[sflag:s17] =	ssyncset.done $0x0  }
0x1f2: {  	s0 =	sadd.s32 $0x1, s0;
	s6 =	rddreg [dreg:$0xa];
	[sflag:s17] =	ssyncadd.s32 $0xFFFFD900  }
0x1f3: {  	[hbm:s6], [sflag:s5] =	dma.local @!p0 [spmem:s7], $0x100  }
0x1f4: {  	p1 =	sne.s32 s0, s12;
	s6 =	simm.s32 @!p0 $0x4  }
.Ltmp2:
0x1f5: {  	_ =	swait.ge @!p0 [sflag:s6], $0x100;
	(pc) =	sbr.rel @p1 .LBB2_1-.Ltmp2, $3  }
0x1f6: {  	[sflag:s6] =	ssyncset.done @!p0 $0x0  }
0x1f7: {  	[sflag:s6] =	ssyncadd.s32 @!p0 $0xFFFFFF00  }
0x1f8: {  	[bflag:$0x0] =	sbarrier.arrive $0xFFFF;
	_ =	sdelay $0x1  }
0x1f9: {  	_ =	sfence.sel $0x180000  }
0x1fa: {  	[bflag:$0x0] =	sbarrier.arrive $0xFFFF  }
0x1fb: {  	_ =	strace $0x90000047  }
0x1fc: {  	[bflag:$0x2] =	sbarrier.arrive $0xFFFF  }
0x1fd: {  	s0 =	rddreg [dreg:$0x4]  }
0x1fe: {  	s0 =	sadd.s32 @!p0 $0x100000, s0  }
0x1ff: {  	[sflag:s0] =	ssyncadd.tile.s32 @!p0 $0x1;
	_ =	shalt  }
.Lfunc_end2:
_tile_overlayer_lowered:
.L_overlay_start_2:
0x200: {  	(tag) =	ssettag $0x2  }
0x201: {  	s0 =	rddreg [dreg:$0x0];
	s2 =	stileid.u32  }
0x202: {  	s1 =	rddreg [dreg:$0x1];
	p0 =	sne.s32 s2, $0x0  }
0x203: {  	s3 =	rddreg [dreg:$0x2];
	[bflag:$0x3] =	sbarrier.arrive $0xFFFF;
	s2 =	simm.s32 @!p0 $0x1C04  }
0x204: {  	[timem:s3], [sflag:s2] =	dma.local @!p0 [hbm:s0], s1  }
0x205: {  	s0 =	simm.s32 @!p0 $0x4  }
0x206: {  	_ =	swait.ge @!p0 [sflag:s0], s1  }
0x207: {  	s1 =	ssub.s32 @!p0 $0x0, s1;
	[sflag:s0] =	ssyncset.done @!p0 $0x0  }
0x208: {  	[sflag:s0] =	ssyncadd.s32 @!p0 s1  }
0x209: {  	[bflag:$0x3] =	sbarrier.arrive $0xFFFF  }
0x20a: {  	_ =	shalt  }

</sc_bundles>
